<compile_context>
chip_gen: v7x
topology: tpu7x:2x2x1
jax: 0.10.2.dev20260603
libtpu: 0.0.44.dev20260713+nightly
codegen_flags: <defaults>
</compile_context>

<pallas_src>
import functools
import jax
import jax.numpy as jnp
from jax import lax
from jax.experimental import pallas as pl
from jax.experimental.pallas import tpu as pltpu
from jax.experimental.pallas import tpu_sc as plsc

B, L, H = 4096, 50, 128
N = B * L
CH = 80


def kernel(x, table1, table2):
    info = plsc.get_sparse_core_info()
    nw = info.num_cores * info.num_subcores
    npw = N // nw
    nchunks = npw // CH
    npairs = nchunks // 2
    mesh = plsc.VectorSubcoreMesh(core_axis_name="c", subcore_axis_name="s")

    @functools.partial(
        pl.kernel,
        mesh=mesh,
        out_type=jax.ShapeDtypeStruct((2 * N, H), jnp.float32),
        scratch_types=[
            pltpu.VMEM((npw // CH, CH), jnp.int32),
            pltpu.VMEM((2, 2, CH), jnp.int32),
            pltpu.VMEM((2, 2, CH, H), jnp.float32),
            pltpu.SemaphoreType.DMA,
            pltpu.SemaphoreType.DMA,
            pltpu.SemaphoreType.DMA,
            pltpu.SemaphoreType.DMA,
        ],
    )
    def run(x_hbm, t1_hbm, t2_hbm, out_hbm, xidx_v, didx_v, buf_v, g0, g1, w0, w1):
        wid = lax.axis_index("s") * info.num_cores + lax.axis_index("c")
        r0w = wid * npw
        gsem = (g0, g1)
        wsem = (w0, w1)
        lanes = lax.iota(jnp.int32, 16)

        pltpu.sync_copy(x_hbm.at[pl.ds(wid * (npw // CH), npw // CH)], xidx_v)

        def issue_gathers(c, slot):
            pltpu.async_copy(t1_hbm.at[xidx_v.at[c]], buf_v.at[slot, 0], gsem[slot])
            pltpu.async_copy(t2_hbm.at[xidx_v.at[c]], buf_v.at[slot, 1], gsem[slot])

        def drain_gathers(slot):
            pltpu.make_async_copy(t1_hbm.at[xidx_v.at[0]], buf_v.at[slot, 0], gsem[slot]).wait()
            pltpu.make_async_copy(t2_hbm.at[xidx_v.at[0]], buf_v.at[slot, 1], gsem[slot]).wait()

        def fill_dst_idx(c, slot):
            base = 2 * (r0w + c * CH)
            for t in range(2):
                for k in range(CH // 16):
                    didx_v[slot, t, pl.ds(16 * k, 16)] = base + 2 * (16 * k + lanes) + t

        def issue_scatters(slot):
            pltpu.async_copy(buf_v.at[slot, 0], out_hbm.at[didx_v.at[slot, 0]], wsem[slot])
            pltpu.async_copy(buf_v.at[slot, 1], out_hbm.at[didx_v.at[slot, 1]], wsem[slot])

        def wait_scatters(slot):
            pltpu.make_async_copy(buf_v.at[slot, 0], out_hbm.at[didx_v.at[slot, 0]], wsem[slot]).wait()
            pltpu.make_async_copy(buf_v.at[slot, 1], out_hbm.at[didx_v.at[slot, 1]], wsem[slot]).wait()

        issue_gathers(0, 0)
        issue_gathers(1, 1)

        def body(i, carry):
            c = 2 * i
            drain_gathers(0)
            fill_dst_idx(c, 0)
            issue_scatters(0)
            drain_gathers(1)
            fill_dst_idx(c + 1, 1)
            issue_scatters(1)

            @pl.when(i < npairs - 1)
            def _():
                wait_scatters(0)
                issue_gathers(c + 2, 0)
                wait_scatters(1)
                issue_gathers(c + 3, 1)

            return carry

        lax.fori_loop(0, npairs, body, 0)
        wait_scatters(0)
        wait_scatters(1)

    flat = run(x.reshape(N // CH, CH), table1, table2)
    return flat.reshape(B, L, 2, H).transpose(0, 2, 1, 3)

# --- scband reference (transcript-rebuilt; emitter-appended) ---
"""Pipeline reference for scband-multi-token-embedding-37452114821147 (READ-ONLY COPY).

The authoritative reference and input builder live on the scoring server;
editing this copy changes nothing except your own understanding.
"""

import jax, jax.numpy as jnp
import numpy as np

NUM_TOKENS = 100000
HIDDEN = 128

def setup_inputs(seed: int = 0) -> dict:
    key = jax.random.key(seed)
    k1, k2, k3 = jax.random.split(key, 3)
    x = jax.random.randint(k1, (4096, 50), 0, NUM_TOKENS, dtype=jnp.int64 if jax.config.jax_enable_x64 else jnp.int32)
    table1 = jax.random.normal(k2, (NUM_TOKENS, HIDDEN), dtype=jnp.float32)
    table2 = jax.random.normal(k3, (NUM_TOKENS, HIDDEN), dtype=jnp.float32)
    return {"x": x, "table1": table1, "table2": table2}

def reference(x, table1, table2):
    # nn.Embedding lookup -> table[idx]
    emb1 = jnp.take(table1, x, axis=0)  # [B, L, H]
    emb2 = jnp.take(table2, x, axis=0)  # [B, L, H]
    emb1 = emb1[:, None, ...]  # unsqueeze(1) -> [B, 1, L, H]
    emb2 = emb2[:, None, ...]
    return jnp.concatenate([emb1, emb2], axis=1)  # [B, 2, L, H]

if __name__ == "__main__":
    import jax
    _d = setup_inputs()
    print(jax.jit(kernel)(*tuple(_d.values())))

</pallas_src>

<mosaic_0001>
#map = affine_map<(d0, d1) -> (0, 0)>
module attributes {stable_mosaic.version = 14 : i64} {
  func.func @run(%arg0: i32, %arg1: i32, %arg2: memref<2560x80xi32, #tpu.memory_space<hbm>>, %arg3: memref<100000x128xf32, #tpu.memory_space<hbm>>, %arg4: memref<100000x128xf32, #tpu.memory_space<hbm>>, %arg5: memref<409600x128xf32, #tpu.memory_space<hbm>>, %arg6: memref<80x80xi32, #tpu.memory_space<vmem>>, %arg7: memref<2x2x80xi32, #tpu.memory_space<vmem>>, %arg8: memref<2x2x80x128xf32, #tpu.memory_space<vmem>>, %arg9: memref<!tpu.dma_semaphore, #tpu.memory_space<semaphore_mem>>, %arg10: memref<!tpu.dma_semaphore, #tpu.memory_space<semaphore_mem>>, %arg11: memref<!tpu.dma_semaphore, #tpu.memory_space<semaphore_mem>>, %arg12: memref<!tpu.dma_semaphore, #tpu.memory_space<semaphore_mem>>) attributes {dimension_semantics = [#tpu.dimension_semantics<core_parallel>, #tpu.dimension_semantics<subcore_parallel>], iteration_bounds = array<i64: 2, 16>, scalar_prefetch = 0 : i64, scratch_operands = 7 : i64, tpu.core_type = #tpu.core_type<sc_vector_subcore>, window_params = [{transform_indices = #map}, {transform_indices = #map}, {transform_indices = #map}, {transform_indices = #map}]} {
    %mul3A = arith.constant 2 : i32
    %mul3A_0 = arith.muli %arg1, %mul3A : i32
    %add3A = arith.addi %mul3A_0, %arg0 : i32
    %mul3A_1 = arith.constant 6400 : i32
    %mul3A_2 = arith.muli %add3A, %mul3A_1 : i32
    %iota3A = tpu.iota {dimensions = array<i32: 0>} : vector<16xi32>
    %mul3A_3 = arith.constant 80 : i32
    %mul3A_4 = arith.muli %add3A, %mul3A_3 : i32
    "tpu.region"() ({
      %run_scoped3A = tpu.sem_alloc : memref<!tpu.dma_semaphore, #tpu.memory_space<semaphore_mem>>
      %dma_start3A_116 = arith.constant 0 : i32
      %dma_start3A_117 = tpu.memref_slice %arg2[%mul3A_4, %dma_start3A_116] : memref<2560x80xi32, #tpu.memory_space<hbm>> -> memref<80x80xi32, #tpu.memory_space<hbm>>
      %dma_start3A_118 = arith.constant 0 : i32
      %dma_start3A_119 = tpu.memref_slice %arg2[%mul3A_4, %dma_start3A_118] : memref<2560x80xi32, #tpu.memory_space<hbm>> -> memref<80x80xi32, #tpu.memory_space<hbm>>
      tpu.enqueue_dma source(%dma_start3A_119 : memref<80x80xi32, #tpu.memory_space<hbm>>) target(%arg6 : memref<80x80xi32, #tpu.memory_space<vmem>>) target_semaphore(%run_scoped3A : memref<!tpu.dma_semaphore, #tpu.memory_space<semaphore_mem>>)
      %dma_wait3A_120 = arith.constant 0 : i32
      %dma_wait3A_121 = tpu.memref_slice %arg2[%mul3A_4, %dma_wait3A_120] : memref<2560x80xi32, #tpu.memory_space<hbm>> -> memref<80x80xi32, #tpu.memory_space<hbm>>
      %dma_wait3A_122 = arith.constant 0 : i32
      %dma_wait3A_123 = tpu.memref_slice %arg2[%mul3A_4, %dma_wait3A_122] : memref<2560x80xi32, #tpu.memory_space<hbm>> -> memref<80x80xi32, #tpu.memory_space<hbm>>
      tpu.wait_dma2 semaphore(%run_scoped3A : memref<!tpu.dma_semaphore, #tpu.memory_space<semaphore_mem>>) src(%dma_wait3A_123 : memref<80x80xi32, #tpu.memory_space<hbm>>) dst(%arg6 : memref<80x80xi32, #tpu.memory_space<vmem>>)
      tpu.yield
    }) : () -> ()
    %dma_start3A = arith.constant 0 : i32
    %dma_start3A_5 = arith.constant 0 : i32
    %dma_start3A_6 = arith.constant 0 : i32
    %dma_start3A_7 = arith.constant 0 : i32
    %dma_start3A_8 = arith.constant 0 : i32
    %dma_start3A_9 = tpu.memref_slice %arg8[%dma_start3A_5, %dma_start3A_6, %dma_start3A_7, %dma_start3A_8] : memref<2x2x80x128xf32, #tpu.memory_space<vmem>> -> memref<1x1x80x128xf32, #tpu.memory_space<vmem>>
    %dma_start3A_10 = tpu.memref_squeeze %dma_start3A_9 : memref<1x1x80x128xf32, #tpu.memory_space<vmem>> -> memref<80x128xf32, #tpu.memory_space<vmem>>
    %dma_start3A_11 = arith.constant 0 : i32
    %dma_start3A_12 = tpu.memref_slice %arg6[%dma_start3A, %dma_start3A_11] : memref<80x80xi32, #tpu.memory_space<vmem>> -> memref<1x80xi32, #tpu.memory_space<vmem>>
    %dma_start3A_13 = tpu.memref_squeeze %dma_start3A_12 : memref<1x80xi32, #tpu.memory_space<vmem>> -> memref<80xi32, #tpu.memory_space<vmem>>
    %dma_start3A_14 = arith.constant 0 : i32
    %dma_start3A_15 = arith.constant 0 : i32
    %dma_start3A_16 = tpu.memref_slice %arg3[%dma_start3A_14, %dma_start3A_15] : memref<100000x128xf32, #tpu.memory_space<hbm>> -> memref<100000x128xf32, #tpu.memory_space<hbm>>
    tpu.enqueue_indirect_dma source(%dma_start3A_16 : memref<100000x128xf32, #tpu.memory_space<hbm>>) target(%dma_start3A_10 : memref<80x128xf32, #tpu.memory_space<vmem>>) offsets(%dma_start3A_13 : memref<80xi32, #tpu.memory_space<vmem>>) semaphore(%arg9 : memref<!tpu.dma_semaphore, #tpu.memory_space<semaphore_mem>>)
    %dma_start3A_17 = arith.constant 0 : i32
    %dma_start3A_18 = arith.constant 0 : i32
    %dma_start3A_19 = arith.constant 1 : i32
    %dma_start3A_20 = arith.constant 0 : i32
    %dma_start3A_21 = arith.constant 0 : i32
    %dma_start3A_22 = tpu.memref_slice %arg8[%dma_start3A_18, %dma_start3A_19, %dma_start3A_20, %dma_start3A_21] : memref<2x2x80x128xf32, #tpu.memory_space<vmem>> -> memref<1x1x80x128xf32, #tpu.memory_space<vmem>>
    %dma_start3A_23 = tpu.memref_squeeze %dma_start3A_22 : memref<1x1x80x128xf32, #tpu.memory_space<vmem>> -> memref<80x128xf32, #tpu.memory_space<vmem>>
    %dma_start3A_24 = arith.constant 0 : i32
    %dma_start3A_25 = tpu.memref_slice %arg6[%dma_start3A_17, %dma_start3A_24] : memref<80x80xi32, #tpu.memory_space<vmem>> -> memref<1x80xi32, #tpu.memory_space<vmem>>
    %dma_start3A_26 = tpu.memref_squeeze %dma_start3A_25 : memref<1x80xi32, #tpu.memory_space<vmem>> -> memref<80xi32, #tpu.memory_space<vmem>>
    %dma_start3A_27 = arith.constant 0 : i32
    %dma_start3A_28 = arith.constant 0 : i32
    %dma_start3A_29 = tpu.memref_slice %arg4[%dma_start3A_27, %dma_start3A_28] : memref<100000x128xf32, #tpu.memory_space<hbm>> -> memref<100000x128xf32, #tpu.memory_space<hbm>>
    tpu.enqueue_indirect_dma source(%dma_start3A_29 : memref<100000x128xf32, #tpu.memory_space<hbm>>) target(%dma_start3A_23 : memref<80x128xf32, #tpu.memory_space<vmem>>) offsets(%dma_start3A_26 : memref<80xi32, #tpu.memory_space<vmem>>) semaphore(%arg9 : memref<!tpu.dma_semaphore, #tpu.memory_space<semaphore_mem>>)
    %dma_start3A_30 = arith.constant 1 : i32
    %dma_start3A_31 = arith.constant 1 : i32
    %dma_start3A_32 = arith.constant 0 : i32
    %dma_start3A_33 = arith.constant 0 : i32
    %dma_start3A_34 = arith.constant 0 : i32
    %dma_start3A_35 = tpu.memref_slice %arg8[%dma_start3A_31, %dma_start3A_32, %dma_start3A_33, %dma_start3A_34] : memref<2x2x80x128xf32, #tpu.memory_space<vmem>> -> memref<1x1x80x128xf32, #tpu.memory_space<vmem>>
    %dma_start3A_36 = tpu.memref_squeeze %dma_start3A_35 : memref<1x1x80x128xf32, #tpu.memory_space<vmem>> -> memref<80x128xf32, #tpu.memory_space<vmem>>
    %dma_start3A_37 = arith.constant 0 : i32
    %dma_start3A_38 = tpu.memref_slice %arg6[%dma_start3A_30, %dma_start3A_37] : memref<80x80xi32, #tpu.memory_space<vmem>> -> memref<1x80xi32, #tpu.memory_space<vmem>>
    %dma_start3A_39 = tpu.memref_squeeze %dma_start3A_38 : memref<1x80xi32, #tpu.memory_space<vmem>> -> memref<80xi32, #tpu.memory_space<vmem>>
    %dma_start3A_40 = arith.constant 0 : i32
    %dma_start3A_41 = arith.constant 0 : i32
    %dma_start3A_42 = tpu.memref_slice %arg3[%dma_start3A_40, %dma_start3A_41] : memref<100000x128xf32, #tpu.memory_space<hbm>> -> memref<100000x128xf32, #tpu.memory_space<hbm>>
    tpu.enqueue_indirect_dma source(%dma_start3A_42 : memref<100000x128xf32, #tpu.memory_space<hbm>>) target(%dma_start3A_36 : memref<80x128xf32, #tpu.memory_space<vmem>>) offsets(%dma_start3A_39 : memref<80xi32, #tpu.memory_space<vmem>>) semaphore(%arg10 : memref<!tpu.dma_semaphore, #tpu.memory_space<semaphore_mem>>)
    %dma_start3A_43 = arith.constant 1 : i32
    %dma_start3A_44 = arith.constant 1 : i32
    %dma_start3A_45 = arith.constant 1 : i32
    %dma_start3A_46 = arith.constant 0 : i32
    %dma_start3A_47 = arith.constant 0 : i32
    %dma_start3A_48 = tpu.memref_slice %arg8[%dma_start3A_44, %dma_start3A_45, %dma_start3A_46, %dma_start3A_47] : memref<2x2x80x128xf32, #tpu.memory_space<vmem>> -> memref<1x1x80x128xf32, #tpu.memory_space<vmem>>
    %dma_start3A_49 = tpu.memref_squeeze %dma_start3A_48 : memref<1x1x80x128xf32, #tpu.memory_space<vmem>> -> memref<80x128xf32, #tpu.memory_space<vmem>>
    %dma_start3A_50 = arith.constant 0 : i32
    %dma_start3A_51 = tpu.memref_slice %arg6[%dma_start3A_43, %dma_start3A_50] : memref<80x80xi32, #tpu.memory_space<vmem>> -> memref<1x80xi32, #tpu.memory_space<vmem>>
    %dma_start3A_52 = tpu.memref_squeeze %dma_start3A_51 : memref<1x80xi32, #tpu.memory_space<vmem>> -> memref<80xi32, #tpu.memory_space<vmem>>
    %dma_start3A_53 = arith.constant 0 : i32
    %dma_start3A_54 = arith.constant 0 : i32
    %dma_start3A_55 = tpu.memref_slice %arg4[%dma_start3A_53, %dma_start3A_54] : memref<100000x128xf32, #tpu.memory_space<hbm>> -> memref<100000x128xf32, #tpu.memory_space<hbm>>
    tpu.enqueue_indirect_dma source(%dma_start3A_55 : memref<100000x128xf32, #tpu.memory_space<hbm>>) target(%dma_start3A_49 : memref<80x128xf32, #tpu.memory_space<vmem>>) offsets(%dma_start3A_52 : memref<80xi32, #tpu.memory_space<vmem>>) semaphore(%arg10 : memref<!tpu.dma_semaphore, #tpu.memory_space<semaphore_mem>>)
    %scan3A = arith.constant 0 : i32
    %scan3A_56 = arith.constant 0 : i32
    %scan3A_57 = arith.constant 40 : i32
    %scan3A_58 = arith.addi %scan3A_56, %scan3A_57 : i32
    %scan3A_59 = arith.constant 1 : i32
    scf.for %scan3A_116 = %scan3A_56 to %scan3A_58 step %scan3A_59  : i32 {
      %mul3A_117 = arith.constant 2 : i32
      %mul3A_118 = arith.muli %mul3A_117, %scan3A_116 : i32
      %dma_wait3A_119 = arith.constant 0 : i32
      %dma_wait3A_120 = arith.constant 0 : i32
      %dma_wait3A_121 = arith.constant 0 : i32
      %dma_wait3A_122 = arith.constant 0 : i32
      %dma_wait3A_123 = arith.constant 0 : i32
      %dma_wait3A_124 = tpu.memref_slice %arg8[%dma_wait3A_120, %dma_wait3A_121, %dma_wait3A_122, %dma_wait3A_123] : memref<2x2x80x128xf32, #tpu.memory_space<vmem>> -> memref<1x1x80x128xf32, #tpu.memory_space<vmem>>
      %dma_wait3A_125 = tpu.memref_squeeze %dma_wait3A_124 : memref<1x1x80x128xf32, #tpu.memory_space<vmem>> -> memref<80x128xf32, #tpu.memory_space<vmem>>
      %dma_wait3A_126 = arith.constant 0 : i32
      %dma_wait3A_127 = tpu.memref_slice %arg6[%dma_wait3A_119, %dma_wait3A_126] : memref<80x80xi32, #tpu.memory_space<vmem>> -> memref<1x80xi32, #tpu.memory_space<vmem>>
      %dma_wait3A_128 = tpu.memref_squeeze %dma_wait3A_127 : memref<1x80xi32, #tpu.memory_space<vmem>> -> memref<80xi32, #tpu.memory_space<vmem>>
      %dma_wait3A_129 = arith.constant 0 : i32
      %dma_wait3A_130 = arith.constant 0 : i32
      %dma_wait3A_131 = tpu.memref_slice %arg3[%dma_wait3A_129, %dma_wait3A_130] : memref<100000x128xf32, #tpu.memory_space<hbm>> -> memref<100000x128xf32, #tpu.memory_space<hbm>>
      tpu.wait_indirect_dma semaphore(%arg9 : memref<!tpu.dma_semaphore, #tpu.memory_space<semaphore_mem>>) src(%dma_wait3A_131 : memref<100000x128xf32, #tpu.memory_space<hbm>>) dst(%dma_wait3A_125 : memref<80x128xf32, #tpu.memory_space<vmem>>)
      %dma_wait3A_132 = arith.constant 0 : i32
      %dma_wait3A_133 = arith.constant 0 : i32
      %dma_wait3A_134 = arith.constant 1 : i32
      %dma_wait3A_135 = arith.constant 0 : i32
      %dma_wait3A_136 = arith.constant 0 : i32
      %dma_wait3A_137 = tpu.memref_slice %arg8[%dma_wait3A_133, %dma_wait3A_134, %dma_wait3A_135, %dma_wait3A_136] : memref<2x2x80x128xf32, #tpu.memory_space<vmem>> -> memref<1x1x80x128xf32, #tpu.memory_space<vmem>>
      %dma_wait3A_138 = tpu.memref_squeeze %dma_wait3A_137 : memref<1x1x80x128xf32, #tpu.memory_space<vmem>> -> memref<80x128xf32, #tpu.memory_space<vmem>>
      %dma_wait3A_139 = arith.constant 0 : i32
      %dma_wait3A_140 = tpu.memref_slice %arg6[%dma_wait3A_132, %dma_wait3A_139] : memref<80x80xi32, #tpu.memory_space<vmem>> -> memref<1x80xi32, #tpu.memory_space<vmem>>
      %dma_wait3A_141 = tpu.memref_squeeze %dma_wait3A_140 : memref<1x80xi32, #tpu.memory_space<vmem>> -> memref<80xi32, #tpu.memory_space<vmem>>
      %dma_wait3A_142 = arith.constant 0 : i32
      %dma_wait3A_143 = arith.constant 0 : i32
      %dma_wait3A_144 = tpu.memref_slice %arg4[%dma_wait3A_142, %dma_wait3A_143] : memref<100000x128xf32, #tpu.memory_space<hbm>> -> memref<100000x128xf32, #tpu.memory_space<hbm>>
      tpu.wait_indirect_dma semaphore(%arg9 : memref<!tpu.dma_semaphore, #tpu.memory_space<semaphore_mem>>) src(%dma_wait3A_144 : memref<100000x128xf32, #tpu.memory_space<hbm>>) dst(%dma_wait3A_138 : memref<80x128xf32, #tpu.memory_space<vmem>>)
      %mul3A_145 = arith.constant 80 : i32
      %mul3A_146 = arith.muli %mul3A_118, %mul3A_145 : i32
      %add3A_147 = arith.addi %mul3A_2, %mul3A_146 : i32
      %mul3A_148 = arith.constant 2 : i32
      %mul3A_149 = arith.muli %mul3A_148, %add3A_147 : i32
      %add3A_150 = arith.constant 0 : i32
      %add3A_151 = vector.broadcast %add3A_150 : i32 to vector<16xi32>
      %add3A_152 = arith.addi %add3A_151, %iota3A : vector<16xi32>
      %mul3A_153 = arith.constant 2 : i32
      %mul3A_154 = vector.broadcast %mul3A_153 : i32 to vector<16xi32>
      %mul3A_155 = arith.muli %mul3A_154, %add3A_152 : vector<16xi32>
      %add3A_156 = vector.broadcast %mul3A_149 : i32 to vector<16xi32>
      %add3A_157 = arith.addi %add3A_156, %mul3A_155 : vector<16xi32>
      %add3A_158 = arith.constant 0 : i32
      %add3A_159 = vector.broadcast %add3A_158 : i32 to vector<16xi32>
      %add3A_160 = arith.addi %add3A_157, %add3A_159 : vector<16xi32>
      %swap3A = arith.constant 0 : i32
      %swap3A_161 = arith.constant 0 : i32
      %swap3A_162 = arith.index_cast %swap3A : i32 to index
      %swap3A_163 = arith.index_cast %swap3A_161 : i32 to index
      %swap3A_164 = arith.constant 0 : index
      %swap3A_165 = tpu.vector_load %arg7[%swap3A_162, %swap3A_163, %swap3A_164] {strides = array<i32>} : memref<2x2x80xi32, #tpu.memory_space<vmem>>, vector<1x1x16xi32>,
      %swap3A_166 = vector.shape_cast %swap3A_165 : vector<1x1x16xi32> to vector<16xi32>
      %swap3A_167 = vector.shape_cast %add3A_160 : vector<16xi32> to vector<1x1x16xi32>
      tpu.vector_store %arg7[%swap3A_162, %swap3A_163, %swap3A_164], %swap3A_167 {strides = array<i32>} : memref<2x2x80xi32, #tpu.memory_space<vmem>>, vector<1x1x16xi32>,
      %add3A_168 = arith.constant 16 : i32
      %add3A_169 = vector.broadcast %add3A_168 : i32 to vector<16xi32>
      %add3A_170 = arith.addi %add3A_169, %iota3A : vector<16xi32>
      %mul3A_171 = arith.constant 2 : i32
      %mul3A_172 = vector.broadcast %mul3A_171 : i32 to vector<16xi32>
      %mul3A_173 = arith.muli %mul3A_172, %add3A_170 : vector<16xi32>
      %add3A_174 = vector.broadcast %mul3A_149 : i32 to vector<16xi32>
      %add3A_175 = arith.addi %add3A_174, %mul3A_173 : vector<16xi32>
      %add3A_176 = arith.constant 0 : i32
      %add3A_177 = vector.broadcast %add3A_176 : i32 to vector<16xi32>
      %add3A_178 = arith.addi %add3A_175, %add3A_177 : vector<16xi32>
      %swap3A_179 = arith.constant 0 : i32
      %swap3A_180 = arith.constant 0 : i32
      %swap3A_181 = arith.index_cast %swap3A_179 : i32 to index
      %swap3A_182 = arith.index_cast %swap3A_180 : i32 to index
      %swap3A_183 = arith.constant 16 : index
      %swap3A_184 = tpu.vector_load %arg7[%swap3A_181, %swap3A_182, %swap3A_183] {strides = array<i32>} : memref<2x2x80xi32, #tpu.memory_space<vmem>>, vector<1x1x16xi32>,
      %swap3A_185 = vector.shape_cast %swap3A_184 : vector<1x1x16xi32> to vector<16xi32>
      %swap3A_186 = vector.shape_cast %add3A_178 : vector<16xi32> to vector<1x1x16xi32>
      tpu.vector_store %arg7[%swap3A_181, %swap3A_182, %swap3A_183], %swap3A_186 {strides = array<i32>} : memref<2x2x80xi32, #tpu.memory_space<vmem>>, vector<1x1x16xi32>,
      %add3A_187 = arith.constant 32 : i32
      %add3A_188 = vector.broadcast %add3A_187 : i32 to vector<16xi32>
      %add3A_189 = arith.addi %add3A_188, %iota3A : vector<16xi32>
      %mul3A_190 = arith.constant 2 : i32
      %mul3A_191 = vector.broadcast %mul3A_190 : i32 to vector<16xi32>
      %mul3A_192 = arith.muli %mul3A_191, %add3A_189 : vector<16xi32>
      %add3A_193 = vector.broadcast %mul3A_149 : i32 to vector<16xi32>
      %add3A_194 = arith.addi %add3A_193, %mul3A_192 : vector<16xi32>
      %add3A_195 = arith.constant 0 : i32
      %add3A_196 = vector.broadcast %add3A_195 : i32 to vector<16xi32>
      %add3A_197 = arith.addi %add3A_194, %add3A_196 : vector<16xi32>
      %swap3A_198 = arith.constant 0 : i32
      %swap3A_199 = arith.constant 0 : i32
      %swap3A_200 = arith.index_cast %swap3A_198 : i32 to index
      %swap3A_201 = arith.index_cast %swap3A_199 : i32 to index
      %swap3A_202 = arith.constant 32 : index
      %swap3A_203 = tpu.vector_load %arg7[%swap3A_200, %swap3A_201, %swap3A_202] {strides = array<i32>} : memref<2x2x80xi32, #tpu.memory_space<vmem>>, vector<1x1x16xi32>,
      %swap3A_204 = vector.shape_cast %swap3A_203 : vector<1x1x16xi32> to vector<16xi32>
      %swap3A_205 = vector.shape_cast %add3A_197 : vector<16xi32> to vector<1x1x16xi32>
      tpu.vector_store %arg7[%swap3A_200, %swap3A_201, %swap3A_202], %swap3A_205 {strides = array<i32>} : memref<2x2x80xi32, #tpu.memory_space<vmem>>, vector<1x1x16xi32>,
      %add3A_206 = arith.constant 48 : i32
      %add3A_207 = vector.broadcast %add3A_206 : i32 to vector<16xi32>
      %add3A_208 = arith.addi %add3A_207, %iota3A : vector<16xi32>
      %mul3A_209 = arith.constant 2 : i32
      %mul3A_210 = vector.broadcast %mul3A_209 : i32 to vector<16xi32>
      %mul3A_211 = arith.muli %mul3A_210, %add3A_208 : vector<16xi32>
      %add3A_212 = vector.broadcast %mul3A_149 : i32 to vector<16xi32>
      %add3A_213 = arith.addi %add3A_212, %mul3A_211 : vector<16xi32>
      %add3A_214 = arith.constant 0 : i32
      %add3A_215 = vector.broadcast %add3A_214 : i32 to vector<16xi32>
      %add3A_216 = arith.addi %add3A_213, %add3A_215 : vector<16xi32>
      %swap3A_217 = arith.constant 0 : i32
      %swap3A_218 = arith.constant 0 : i32
      %swap3A_219 = arith.index_cast %swap3A_217 : i32 to index
      %swap3A_220 = arith.index_cast %swap3A_218 : i32 to index
      %swap3A_221 = arith.constant 48 : index
      %swap3A_222 = tpu.vector_load %arg7[%swap3A_219, %swap3A_220, %swap3A_221] {strides = array<i32>} : memref<2x2x80xi32, #tpu.memory_space<vmem>>, vector<1x1x16xi32>,
      %swap3A_223 = vector.shape_cast %swap3A_222 : vector<1x1x16xi32> to vector<16xi32>
      %swap3A_224 = vector.shape_cast %add3A_216 : vector<16xi32> to vector<1x1x16xi32>
      tpu.vector_store %arg7[%swap3A_219, %swap3A_220, %swap3A_221], %swap3A_224 {strides = array<i32>} : memref<2x2x80xi32, #tpu.memory_space<vmem>>, vector<1x1x16xi32>,
      %add3A_225 = arith.constant 64 : i32
      %add3A_226 = vector.broadcast %add3A_225 : i32 to vector<16xi32>
      %add3A_227 = arith.addi %add3A_226, %iota3A : vector<16xi32>
      %mul3A_228 = arith.constant 2 : i32
      %mul3A_229 = vector.broadcast %mul3A_228 : i32 to vector<16xi32>
      %mul3A_230 = arith.muli %mul3A_229, %add3A_227 : vector<16xi32>
      %add3A_231 = vector.broadcast %mul3A_149 : i32 to vector<16xi32>
      %add3A_232 = arith.addi %add3A_231, %mul3A_230 : vector<16xi32>
      %add3A_233 = arith.constant 0 : i32
      %add3A_234 = vector.broadcast %add3A_233 : i32 to vector<16xi32>
      %add3A_235 = arith.addi %add3A_232, %add3A_234 : vector<16xi32>
      %swap3A_236 = arith.constant 0 : i32
      %swap3A_237 = arith.constant 0 : i32
      %swap3A_238 = arith.index_cast %swap3A_236 : i32 to index
      %swap3A_239 = arith.index_cast %swap3A_237 : i32 to index
      %swap3A_240 = arith.constant 64 : index
      %swap3A_241 = tpu.vector_load %arg7[%swap3A_238, %swap3A_239, %swap3A_240] {strides = array<i32>} : memref<2x2x80xi32, #tpu.memory_space<vmem>>, vector<1x1x16xi32>,
      %swap3A_242 = vector.shape_cast %swap3A_241 : vector<1x1x16xi32> to vector<16xi32>
      %swap3A_243 = vector.shape_cast %add3A_235 : vector<16xi32> to vector<1x1x16xi32>
      tpu.vector_store %arg7[%swap3A_238, %swap3A_239, %swap3A_240], %swap3A_243 {strides = array<i32>} : memref<2x2x80xi32, #tpu.memory_space<vmem>>, vector<1x1x16xi32>,
      %add3A_244 = arith.constant 0 : i32
      %add3A_245 = vector.broadcast %add3A_244 : i32 to vector<16xi32>
      %add3A_246 = arith.addi %add3A_245, %iota3A : vector<16xi32>
      %mul3A_247 = arith.constant 2 : i32
      %mul3A_248 = vector.broadcast %mul3A_247 : i32 to vector<16xi32>
      %mul3A_249 = arith.muli %mul3A_248, %add3A_246 : vector<16xi32>
      %add3A_250 = vector.broadcast %mul3A_149 : i32 to vector<16xi32>
      %add3A_251 = arith.addi %add3A_250, %mul3A_249 : vector<16xi32>
      %add3A_252 = arith.constant 1 : i32
      %add3A_253 = vector.broadcast %add3A_252 : i32 to vector<16xi32>
      %add3A_254 = arith.addi %add3A_251, %add3A_253 : vector<16xi32>
      %swap3A_255 = arith.constant 0 : i32
      %swap3A_256 = arith.constant 1 : i32
      %swap3A_257 = arith.index_cast %swap3A_255 : i32 to index
      %swap3A_258 = arith.index_cast %swap3A_256 : i32 to index
      %swap3A_259 = arith.constant 0 : index
      %swap3A_260 = tpu.vector_load %arg7[%swap3A_257, %swap3A_258, %swap3A_259] {strides = array<i32>} : memref<2x2x80xi32, #tpu.memory_space<vmem>>, vector<1x1x16xi32>,
      %swap3A_261 = vector.shape_cast %swap3A_260 : vector<1x1x16xi32> to vector<16xi32>
      %swap3A_262 = vector.shape_cast %add3A_254 : vector<16xi32> to vector<1x1x16xi32>
      tpu.vector_store %arg7[%swap3A_257, %swap3A_258, %swap3A_259], %swap3A_262 {strides = array<i32>} : memref<2x2x80xi32, #tpu.memory_space<vmem>>, vector<1x1x16xi32>,
      %add3A_263 = arith.constant 16 : i32
      %add3A_264 = vector.broadcast %add3A_263 : i32 to vector<16xi32>
      %add3A_265 = arith.addi %add3A_264, %iota3A : vector<16xi32>
      %mul3A_266 = arith.constant 2 : i32
      %mul3A_267 = vector.broadcast %mul3A_266 : i32 to vector<16xi32>
      %mul3A_268 = arith.muli %mul3A_267, %add3A_265 : vector<16xi32>
      %add3A_269 = vector.broadcast %mul3A_149 : i32 to vector<16xi32>
      %add3A_270 = arith.addi %add3A_269, %mul3A_268 : vector<16xi32>
      %add3A_271 = arith.constant 1 : i32
      %add3A_272 = vector.broadcast %add3A_271 : i32 to vector<16xi32>
      %add3A_273 = arith.addi %add3A_270, %add3A_272 : vector<16xi32>
      %swap3A_274 = arith.constant 0 : i32
      %swap3A_275 = arith.constant 1 : i32
      %swap3A_276 = arith.index_cast %swap3A_274 : i32 to index
      %swap3A_277 = arith.index_cast %swap3A_275 : i32 to index
      %swap3A_278 = arith.constant 16 : index
      %swap3A_279 = tpu.vector_load %arg7[%swap3A_276, %swap3A_277, %swap3A_278] {strides = array<i32>} : memref<2x2x80xi32, #tpu.memory_space<vmem>>, vector<1x1x16xi32>,
      %swap3A_280 = vector.shape_cast %swap3A_279 : vector<1x1x16xi32> to vector<16xi32>
      %swap3A_281 = vector.shape_cast %add3A_273 : vector<16xi32> to vector<1x1x16xi32>
      tpu.vector_store %arg7[%swap3A_276, %swap3A_277, %swap3A_278], %swap3A_281 {strides = array<i32>} : memref<2x2x80xi32, #tpu.memory_space<vmem>>, vector<1x1x16xi32>,
      %add3A_282 = arith.constant 32 : i32
      %add3A_283 = vector.broadcast %add3A_282 : i32 to vector<16xi32>
      %add3A_284 = arith.addi %add3A_283, %iota3A : vector<16xi32>
      %mul3A_285 = arith.constant 2 : i32
      %mul3A_286 = vector.broadcast %mul3A_285 : i32 to vector<16xi32>
      %mul3A_287 = arith.muli %mul3A_286, %add3A_284 : vector<16xi32>
      %add3A_288 = vector.broadcast %mul3A_149 : i32 to vector<16xi32>
      %add3A_289 = arith.addi %add3A_288, %mul3A_287 : vector<16xi32>
      %add3A_290 = arith.constant 1 : i32
      %add3A_291 = vector.broadcast %add3A_290 : i32 to vector<16xi32>
      %add3A_292 = arith.addi %add3A_289, %add3A_291 : vector<16xi32>
      %swap3A_293 = arith.constant 0 : i32
      %swap3A_294 = arith.constant 1 : i32
      %swap3A_295 = arith.index_cast %swap3A_293 : i32 to index
      %swap3A_296 = arith.index_cast %swap3A_294 : i32 to index
      %swap3A_297 = arith.constant 32 : index
      %swap3A_298 = tpu.vector_load %arg7[%swap3A_295, %swap3A_296, %swap3A_297] {strides = array<i32>} : memref<2x2x80xi32, #tpu.memory_space<vmem>>, vector<1x1x16xi32>,
      %swap3A_299 = vector.shape_cast %swap3A_298 : vector<1x1x16xi32> to vector<16xi32>
      %swap3A_300 = vector.shape_cast %add3A_292 : vector<16xi32> to vector<1x1x16xi32>
      tpu.vector_store %arg7[%swap3A_295, %swap3A_296, %swap3A_297], %swap3A_300 {strides = array<i32>} : memref<2x2x80xi32, #tpu.memory_space<vmem>>, vector<1x1x16xi32>,
      %add3A_301 = arith.constant 48 : i32
      %add3A_302 = vector.broadcast %add3A_301 : i32 to vector<16xi32>
      %add3A_303 = arith.addi %add3A_302, %iota3A : vector<16xi32>
      %mul3A_304 = arith.constant 2 : i32
      %mul3A_305 = vector.broadcast %mul3A_304 : i32 to vector<16xi32>
      %mul3A_306 = arith.muli %mul3A_305, %add3A_303 : vector<16xi32>
      %add3A_307 = vector.broadcast %mul3A_149 : i32 to vector<16xi32>
      %add3A_308 = arith.addi %add3A_307, %mul3A_306 : vector<16xi32>
      %add3A_309 = arith.constant 1 : i32
      %add3A_310 = vector.broadcast %add3A_309 : i32 to vector<16xi32>
      %add3A_311 = arith.addi %add3A_308, %add3A_310 : vector<16xi32>
      %swap3A_312 = arith.constant 0 : i32
      %swap3A_313 = arith.constant 1 : i32
      %swap3A_314 = arith.index_cast %swap3A_312 : i32 to index
      %swap3A_315 = arith.index_cast %swap3A_313 : i32 to index
      %swap3A_316 = arith.constant 48 : index
      %swap3A_317 = tpu.vector_load %arg7[%swap3A_314, %swap3A_315, %swap3A_316] {strides = array<i32>} : memref<2x2x80xi32, #tpu.memory_space<vmem>>, vector<1x1x16xi32>,
      %swap3A_318 = vector.shape_cast %swap3A_317 : vector<1x1x16xi32> to vector<16xi32>
      %swap3A_319 = vector.shape_cast %add3A_311 : vector<16xi32> to vector<1x1x16xi32>
      tpu.vector_store %arg7[%swap3A_314, %swap3A_315, %swap3A_316], %swap3A_319 {strides = array<i32>} : memref<2x2x80xi32, #tpu.memory_space<vmem>>, vector<1x1x16xi32>,
      %add3A_320 = arith.constant 64 : i32
      %add3A_321 = vector.broadcast %add3A_320 : i32 to vector<16xi32>
      %add3A_322 = arith.addi %add3A_321, %iota3A : vector<16xi32>
      %mul3A_323 = arith.constant 2 : i32
      %mul3A_324 = vector.broadcast %mul3A_323 : i32 to vector<16xi32>
      %mul3A_325 = arith.muli %mul3A_324, %add3A_322 : vector<16xi32>
      %add3A_326 = vector.broadcast %mul3A_149 : i32 to vector<16xi32>
      %add3A_327 = arith.addi %add3A_326, %mul3A_325 : vector<16xi32>
      %add3A_328 = arith.constant 1 : i32
      %add3A_329 = vector.broadcast %add3A_328 : i32 to vector<16xi32>
      %add3A_330 = arith.addi %add3A_327, %add3A_329 : vector<16xi32>
      %swap3A_331 = arith.constant 0 : i32
      %swap3A_332 = arith.constant 1 : i32
      %swap3A_333 = arith.index_cast %swap3A_331 : i32 to index
      %swap3A_334 = arith.index_cast %swap3A_332 : i32 to index
      %swap3A_335 = arith.constant 64 : index
      %swap3A_336 = tpu.vector_load %arg7[%swap3A_333, %swap3A_334, %swap3A_335] {strides = array<i32>} : memref<2x2x80xi32, #tpu.memory_space<vmem>>, vector<1x1x16xi32>,
      %swap3A_337 = vector.shape_cast %swap3A_336 : vector<1x1x16xi32> to vector<16xi32>
      %swap3A_338 = vector.shape_cast %add3A_330 : vector<16xi32> to vector<1x1x16xi32>
      tpu.vector_store %arg7[%swap3A_333, %swap3A_334, %swap3A_335], %swap3A_338 {strides = array<i32>} : memref<2x2x80xi32, #tpu.memory_space<vmem>>, vector<1x1x16xi32>,
      %dma_start3A_339 = arith.constant 0 : i32
      %dma_start3A_340 = arith.constant 0 : i32
      %dma_start3A_341 = arith.constant 0 : i32
      %dma_start3A_342 = arith.constant 0 : i32
      %dma_start3A_343 = arith.constant 0 : i32
      %dma_start3A_344 = arith.constant 0 : i32
      %dma_start3A_345 = tpu.memref_slice %arg8[%dma_start3A_339, %dma_start3A_340, %dma_start3A_343, %dma_start3A_344] : memref<2x2x80x128xf32, #tpu.memory_space<vmem>> -> memref<1x1x80x128xf32, #tpu.memory_space<vmem>>
      %dma_start3A_346 = tpu.memref_squeeze %dma_start3A_345 : memref<1x1x80x128xf32, #tpu.memory_space<vmem>> -> memref<80x128xf32, #tpu.memory_space<vmem>>
      %dma_start3A_347 = arith.constant 0 : i32
      %dma_start3A_348 = tpu.memref_slice %arg7[%dma_start3A_341, %dma_start3A_342, %dma_start3A_347] : memref<2x2x80xi32, #tpu.memory_space<vmem>> -> memref<1x1x80xi32, #tpu.memory_space<vmem>>
      %dma_start3A_349 = tpu.memref_squeeze %dma_start3A_348 : memref<1x1x80xi32, #tpu.memory_space<vmem>> -> memref<80xi32, #tpu.memory_space<vmem>>
      %dma_start3A_350 = arith.constant 0 : i32
      %dma_start3A_351 = arith.constant 0 : i32
      %dma_start3A_352 = tpu.memref_slice %arg5[%dma_start3A_350, %dma_start3A_351] : memref<409600x128xf32, #tpu.memory_space<hbm>> -> memref<409600x128xf32, #tpu.memory_space<hbm>>
      tpu.enqueue_indirect_dma source(%dma_start3A_346 : memref<80x128xf32, #tpu.memory_space<vmem>>) target(%dma_start3A_352 : memref<409600x128xf32, #tpu.memory_space<hbm>>) offsets(%dma_start3A_349 : memref<80xi32, #tpu.memory_space<vmem>>) semaphore(%arg11 : memref<!tpu.dma_semaphore, #tpu.memory_space<semaphore_mem>>)
      %dma_start3A_353 = arith.constant 0 : i32
      %dma_start3A_354 = arith.constant 1 : i32
      %dma_start3A_355 = arith.constant 0 : i32
      %dma_start3A_356 = arith.constant 1 : i32
      %dma_start3A_357 = arith.constant 0 : i32
      %dma_start3A_358 = arith.constant 0 : i32
      %dma_start3A_359 = tpu.memref_slice %arg8[%dma_start3A_353, %dma_start3A_354, %dma_start3A_357, %dma_start3A_358] : memref<2x2x80x128xf32, #tpu.memory_space<vmem>> -> memref<1x1x80x128xf32, #tpu.memory_space<vmem>>
      %dma_start3A_360 = tpu.memref_squeeze %dma_start3A_359 : memref<1x1x80x128xf32, #tpu.memory_space<vmem>> -> memref<80x128xf32, #tpu.memory_space<vmem>>
      %dma_start3A_361 = arith.constant 0 : i32
      %dma_start3A_362 = tpu.memref_slice %arg7[%dma_start3A_355, %dma_start3A_356, %dma_start3A_361] : memref<2x2x80xi32, #tpu.memory_space<vmem>> -> memref<1x1x80xi32, #tpu.memory_space<vmem>>
      %dma_start3A_363 = tpu.memref_squeeze %dma_start3A_362 : memref<1x1x80xi32, #tpu.memory_space<vmem>> -> memref<80xi32, #tpu.memory_space<vmem>>
      %dma_start3A_364 = arith.constant 0 : i32
      %dma_start3A_365 = arith.constant 0 : i32
      %dma_start3A_366 = tpu.memref_slice %arg5[%dma_start3A_364, %dma_start3A_365] : memref<409600x128xf32, #tpu.memory_space<hbm>> -> memref<409600x128xf32, #tpu.memory_space<hbm>>
      tpu.enqueue_indirect_dma source(%dma_start3A_360 : memref<80x128xf32, #tpu.memory_space<vmem>>) target(%dma_start3A_366 : memref<409600x128xf32, #tpu.memory_space<hbm>>) offsets(%dma_start3A_363 : memref<80xi32, #tpu.memory_space<vmem>>) semaphore(%arg11 : memref<!tpu.dma_semaphore, #tpu.memory_space<semaphore_mem>>)
      %dma_wait3A_367 = arith.constant 0 : i32
      %dma_wait3A_368 = arith.constant 1 : i32
      %dma_wait3A_369 = arith.constant 0 : i32
      %dma_wait3A_370 = arith.constant 0 : i32
      %dma_wait3A_371 = arith.constant 0 : i32
      %dma_wait3A_372 = tpu.memref_slice %arg8[%dma_wait3A_368, %dma_wait3A_369, %dma_wait3A_370, %dma_wait3A_371] : memref<2x2x80x128xf32, #tpu.memory_space<vmem>> -> memref<1x1x80x128xf32, #tpu.memory_space<vmem>>
      %dma_wait3A_373 = tpu.memref_squeeze %dma_wait3A_372 : memref<1x1x80x128xf32, #tpu.memory_space<vmem>> -> memref<80x128xf32, #tpu.memory_space<vmem>>
      %dma_wait3A_374 = arith.constant 0 : i32
      %dma_wait3A_375 = tpu.memref_slice %arg6[%dma_wait3A_367, %dma_wait3A_374] : memref<80x80xi32, #tpu.memory_space<vmem>> -> memref<1x80xi32, #tpu.memory_space<vmem>>
      %dma_wait3A_376 = tpu.memref_squeeze %dma_wait3A_375 : memref<1x80xi32, #tpu.memory_space<vmem>> -> memref<80xi32, #tpu.memory_space<vmem>>
      %dma_wait3A_377 = arith.constant 0 : i32
      %dma_wait3A_378 = arith.constant 0 : i32
      %dma_wait3A_379 = tpu.memref_slice %arg3[%dma_wait3A_377, %dma_wait3A_378] : memref<100000x128xf32, #tpu.memory_space<hbm>> -> memref<100000x128xf32, #tpu.memory_space<hbm>>
      tpu.wait_indirect_dma semaphore(%arg10 : memref<!tpu.dma_semaphore, #tpu.memory_space<semaphore_mem>>) src(%dma_wait3A_379 : memref<100000x128xf32, #tpu.memory_space<hbm>>) dst(%dma_wait3A_373 : memref<80x128xf32, #tpu.memory_space<vmem>>)
      %dma_wait3A_380 = arith.constant 0 : i32
      %dma_wait3A_381 = arith.constant 1 : i32
      %dma_wait3A_382 = arith.constant 1 : i32
      %dma_wait3A_383 = arith.constant 0 : i32
      %dma_wait3A_384 = arith.constant 0 : i32
      %dma_wait3A_385 = tpu.memref_slice %arg8[%dma_wait3A_381, %dma_wait3A_382, %dma_wait3A_383, %dma_wait3A_384] : memref<2x2x80x128xf32, #tpu.memory_space<vmem>> -> memref<1x1x80x128xf32, #tpu.memory_space<vmem>>
      %dma_wait3A_386 = tpu.memref_squeeze %dma_wait3A_385 : memref<1x1x80x128xf32, #tpu.memory_space<vmem>> -> memref<80x128xf32, #tpu.memory_space<vmem>>
      %dma_wait3A_387 = arith.constant 0 : i32
      %dma_wait3A_388 = tpu.memref_slice %arg6[%dma_wait3A_380, %dma_wait3A_387] : memref<80x80xi32, #tpu.memory_space<vmem>> -> memref<1x80xi32, #tpu.memory_space<vmem>>
      %dma_wait3A_389 = tpu.memref_squeeze %dma_wait3A_388 : memref<1x80xi32, #tpu.memory_space<vmem>> -> memref<80xi32, #tpu.memory_space<vmem>>
      %dma_wait3A_390 = arith.constant 0 : i32
      %dma_wait3A_391 = arith.constant 0 : i32
      %dma_wait3A_392 = tpu.memref_slice %arg4[%dma_wait3A_390, %dma_wait3A_391] : memref<100000x128xf32, #tpu.memory_space<hbm>> -> memref<100000x128xf32, #tpu.memory_space<hbm>>
      tpu.wait_indirect_dma semaphore(%arg10 : memref<!tpu.dma_semaphore, #tpu.memory_space<semaphore_mem>>) src(%dma_wait3A_392 : memref<100000x128xf32, #tpu.memory_space<hbm>>) dst(%dma_wait3A_386 : memref<80x128xf32, #tpu.memory_space<vmem>>)
      %add3A_393 = arith.constant 1 : i32
      %add3A_394 = arith.addi %mul3A_118, %add3A_393 : i32
      %mul3A_395 = arith.constant 80 : i32
      %mul3A_396 = arith.muli %add3A_394, %mul3A_395 : i32
      %add3A_397 = arith.addi %mul3A_2, %mul3A_396 : i32
      %mul3A_398 = arith.constant 2 : i32
      %mul3A_399 = arith.muli %mul3A_398, %add3A_397 : i32
      %add3A_400 = arith.constant 0 : i32
      %add3A_401 = vector.broadcast %add3A_400 : i32 to vector<16xi32>
      %add3A_402 = arith.addi %add3A_401, %iota3A : vector<16xi32>
      %mul3A_403 = arith.constant 2 : i32
      %mul3A_404 = vector.broadcast %mul3A_403 : i32 to vector<16xi32>
      %mul3A_405 = arith.muli %mul3A_404, %add3A_402 : vector<16xi32>
      %add3A_406 = vector.broadcast %mul3A_399 : i32 to vector<16xi32>
      %add3A_407 = arith.addi %add3A_406, %mul3A_405 : vector<16xi32>
      %add3A_408 = arith.constant 0 : i32
      %add3A_409 = vector.broadcast %add3A_408 : i32 to vector<16xi32>
      %add3A_410 = arith.addi %add3A_407, %add3A_409 : vector<16xi32>
      %swap3A_411 = arith.constant 1 : i32
      %swap3A_412 = arith.constant 0 : i32
      %swap3A_413 = arith.index_cast %swap3A_411 : i32 to index
      %swap3A_414 = arith.index_cast %swap3A_412 : i32 to index
      %swap3A_415 = arith.constant 0 : index
      %swap3A_416 = tpu.vector_load %arg7[%swap3A_413, %swap3A_414, %swap3A_415] {strides = array<i32>} : memref<2x2x80xi32, #tpu.memory_space<vmem>>, vector<1x1x16xi32>,
      %swap3A_417 = vector.shape_cast %swap3A_416 : vector<1x1x16xi32> to vector<16xi32>
      %swap3A_418 = vector.shape_cast %add3A_410 : vector<16xi32> to vector<1x1x16xi32>
      tpu.vector_store %arg7[%swap3A_413, %swap3A_414, %swap3A_415], %swap3A_418 {strides = array<i32>} : memref<2x2x80xi32, #tpu.memory_space<vmem>>, vector<1x1x16xi32>,
      %add3A_419 = arith.constant 16 : i32
      %add3A_420 = vector.broadcast %add3A_419 : i32 to vector<16xi32>
      %add3A_421 = arith.addi %add3A_420, %iota3A : vector<16xi32>
      %mul3A_422 = arith.constant 2 : i32
      %mul3A_423 = vector.broadcast %mul3A_422 : i32 to vector<16xi32>
      %mul3A_424 = arith.muli %mul3A_423, %add3A_421 : vector<16xi32>
      %add3A_425 = vector.broadcast %mul3A_399 : i32 to vector<16xi32>
      %add3A_426 = arith.addi %add3A_425, %mul3A_424 : vector<16xi32>
      %add3A_427 = arith.constant 0 : i32
      %add3A_428 = vector.broadcast %add3A_427 : i32 to vector<16xi32>
      %add3A_429 = arith.addi %add3A_426, %add3A_428 : vector<16xi32>
      %swap3A_430 = arith.constant 1 : i32
      %swap3A_431 = arith.constant 0 : i32
      %swap3A_432 = arith.index_cast %swap3A_430 : i32 to index
      %swap3A_433 = arith.index_cast %swap3A_431 : i32 to index
      %swap3A_434 = arith.constant 16 : index
      %swap3A_435 = tpu.vector_load %arg7[%swap3A_432, %swap3A_433, %swap3A_434] {strides = array<i32>} : memref<2x2x80xi32, #tpu.memory_space<vmem>>, vector<1x1x16xi32>,
      %swap3A_436 = vector.shape_cast %swap3A_435 : vector<1x1x16xi32> to vector<16xi32>
      %swap3A_437 = vector.shape_cast %add3A_429 : vector<16xi32> to vector<1x1x16xi32>
      tpu.vector_store %arg7[%swap3A_432, %swap3A_433, %swap3A_434], %swap3A_437 {strides = array<i32>} : memref<2x2x80xi32, #tpu.memory_space<vmem>>, vector<1x1x16xi32>,
      %add3A_438 = arith.constant 32 : i32
      %add3A_439 = vector.broadcast %add3A_438 : i32 to vector<16xi32>
      %add3A_440 = arith.addi %add3A_439, %iota3A : vector<16xi32>
      %mul3A_441 = arith.constant 2 : i32
      %mul3A_442 = vector.broadcast %mul3A_441 : i32 to vector<16xi32>
      %mul3A_443 = arith.muli %mul3A_442, %add3A_440 : vector<16xi32>
      %add3A_444 = vector.broadcast %mul3A_399 : i32 to vector<16xi32>
      %add3A_445 = arith.addi %add3A_444, %mul3A_443 : vector<16xi32>
      %add3A_446 = arith.constant 0 : i32
      %add3A_447 = vector.broadcast %add3A_446 : i32 to vector<16xi32>
      %add3A_448 = arith.addi %add3A_445, %add3A_447 : vector<16xi32>
      %swap3A_449 = arith.constant 1 : i32
      %swap3A_450 = arith.constant 0 : i32
      %swap3A_451 = arith.index_cast %swap3A_449 : i32 to index
      %swap3A_452 = arith.index_cast %swap3A_450 : i32 to index
      %swap3A_453 = arith.constant 32 : index
      %swap3A_454 = tpu.vector_load %arg7[%swap3A_451, %swap3A_452, %swap3A_453] {strides = array<i32>} : memref<2x2x80xi32, #tpu.memory_space<vmem>>, vector<1x1x16xi32>,
      %swap3A_455 = vector.shape_cast %swap3A_454 : vector<1x1x16xi32> to vector<16xi32>
      %swap3A_456 = vector.shape_cast %add3A_448 : vector<16xi32> to vector<1x1x16xi32>
      tpu.vector_store %arg7[%swap3A_451, %swap3A_452, %swap3A_453], %swap3A_456 {strides = array<i32>} : memref<2x2x80xi32, #tpu.memory_space<vmem>>, vector<1x1x16xi32>,
      %add3A_457 = arith.constant 48 : i32
      %add3A_458 = vector.broadcast %add3A_457 : i32 to vector<16xi32>
      %add3A_459 = arith.addi %add3A_458, %iota3A : vector<16xi32>
      %mul3A_460 = arith.constant 2 : i32
      %mul3A_461 = vector.broadcast %mul3A_460 : i32 to vector<16xi32>
      %mul3A_462 = arith.muli %mul3A_461, %add3A_459 : vector<16xi32>
      %add3A_463 = vector.broadcast %mul3A_399 : i32 to vector<16xi32>
      %add3A_464 = arith.addi %add3A_463, %mul3A_462 : vector<16xi32>
      %add3A_465 = arith.constant 0 : i32
      %add3A_466 = vector.broadcast %add3A_465 : i32 to vector<16xi32>
      %add3A_467 = arith.addi %add3A_464, %add3A_466 : vector<16xi32>
      %swap3A_468 = arith.constant 1 : i32
      %swap3A_469 = arith.constant 0 : i32
      %swap3A_470 = arith.index_cast %swap3A_468 : i32 to index
      %swap3A_471 = arith.index_cast %swap3A_469 : i32 to index
      %swap3A_472 = arith.constant 48 : index
      %swap3A_473 = tpu.vector_load %arg7[%swap3A_470, %swap3A_471, %swap3A_472] {strides = array<i32>} : memref<2x2x80xi32, #tpu.memory_space<vmem>>, vector<1x1x16xi32>,
      %swap3A_474 = vector.shape_cast %swap3A_473 : vector<1x1x16xi32> to vector<16xi32>
      %swap3A_475 = vector.shape_cast %add3A_467 : vector<16xi32> to vector<1x1x16xi32>
      tpu.vector_store %arg7[%swap3A_470, %swap3A_471, %swap3A_472], %swap3A_475 {strides = array<i32>} : memref<2x2x80xi32, #tpu.memory_space<vmem>>, vector<1x1x16xi32>,
      %add3A_476 = arith.constant 64 : i32
      %add3A_477 = vector.broadcast %add3A_476 : i32 to vector<16xi32>
      %add3A_478 = arith.addi %add3A_477, %iota3A : vector<16xi32>
      %mul3A_479 = arith.constant 2 : i32
      %mul3A_480 = vector.broadcast %mul3A_479 : i32 to vector<16xi32>
      %mul3A_481 = arith.muli %mul3A_480, %add3A_478 : vector<16xi32>
      %add3A_482 = vector.broadcast %mul3A_399 : i32 to vector<16xi32>
      %add3A_483 = arith.addi %add3A_482, %mul3A_481 : vector<16xi32>
      %add3A_484 = arith.constant 0 : i32
      %add3A_485 = vector.broadcast %add3A_484 : i32 to vector<16xi32>
      %add3A_486 = arith.addi %add3A_483, %add3A_485 : vector<16xi32>
      %swap3A_487 = arith.constant 1 : i32
      %swap3A_488 = arith.constant 0 : i32
      %swap3A_489 = arith.index_cast %swap3A_487 : i32 to index
      %swap3A_490 = arith.index_cast %swap3A_488 : i32 to index
      %swap3A_491 = arith.constant 64 : index
      %swap3A_492 = tpu.vector_load %arg7[%swap3A_489, %swap3A_490, %swap3A_491] {strides = array<i32>} : memref<2x2x80xi32, #tpu.memory_space<vmem>>, vector<1x1x16xi32>,
      %swap3A_493 = vector.shape_cast %swap3A_492 : vector<1x1x16xi32> to vector<16xi32>
      %swap3A_494 = vector.shape_cast %add3A_486 : vector<16xi32> to vector<1x1x16xi32>
      tpu.vector_store %arg7[%swap3A_489, %swap3A_490, %swap3A_491], %swap3A_494 {strides = array<i32>} : memref<2x2x80xi32, #tpu.memory_space<vmem>>, vector<1x1x16xi32>,
      %add3A_495 = arith.constant 0 : i32
      %add3A_496 = vector.broadcast %add3A_495 : i32 to vector<16xi32>
      %add3A_497 = arith.addi %add3A_496, %iota3A : vector<16xi32>
      %mul3A_498 = arith.constant 2 : i32
      %mul3A_499 = vector.broadcast %mul3A_498 : i32 to vector<16xi32>
      %mul3A_500 = arith.muli %mul3A_499, %add3A_497 : vector<16xi32>
      %add3A_501 = vector.broadcast %mul3A_399 : i32 to vector<16xi32>
      %add3A_502 = arith.addi %add3A_501, %mul3A_500 : vector<16xi32>
      %add3A_503 = arith.constant 1 : i32
      %add3A_504 = vector.broadcast %add3A_503 : i32 to vector<16xi32>
      %add3A_505 = arith.addi %add3A_502, %add3A_504 : vector<16xi32>
      %swap3A_506 = arith.constant 1 : i32
      %swap3A_507 = arith.constant 1 : i32
      %swap3A_508 = arith.index_cast %swap3A_506 : i32 to index
      %swap3A_509 = arith.index_cast %swap3A_507 : i32 to index
      %swap3A_510 = arith.constant 0 : index
      %swap3A_511 = tpu.vector_load %arg7[%swap3A_508, %swap3A_509, %swap3A_510] {strides = array<i32>} : memref<2x2x80xi32, #tpu.memory_space<vmem>>, vector<1x1x16xi32>,
      %swap3A_512 = vector.shape_cast %swap3A_511 : vector<1x1x16xi32> to vector<16xi32>
      %swap3A_513 = vector.shape_cast %add3A_505 : vector<16xi32> to vector<1x1x16xi32>
      tpu.vector_store %arg7[%swap3A_508, %swap3A_509, %swap3A_510], %swap3A_513 {strides = array<i32>} : memref<2x2x80xi32, #tpu.memory_space<vmem>>, vector<1x1x16xi32>,
      %add3A_514 = arith.constant 16 : i32
      %add3A_515 = vector.broadcast %add3A_514 : i32 to vector<16xi32>
      %add3A_516 = arith.addi %add3A_515, %iota3A : vector<16xi32>
      %mul3A_517 = arith.constant 2 : i32
      %mul3A_518 = vector.broadcast %mul3A_517 : i32 to vector<16xi32>
      %mul3A_519 = arith.muli %mul3A_518, %add3A_516 : vector<16xi32>
      %add3A_520 = vector.broadcast %mul3A_399 : i32 to vector<16xi32>
      %add3A_521 = arith.addi %add3A_520, %mul3A_519 : vector<16xi32>
      %add3A_522 = arith.constant 1 : i32
      %add3A_523 = vector.broadcast %add3A_522 : i32 to vector<16xi32>
      %add3A_524 = arith.addi %add3A_521, %add3A_523 : vector<16xi32>
      %swap3A_525 = arith.constant 1 : i32
      %swap3A_526 = arith.constant 1 : i32
      %swap3A_527 = arith.index_cast %swap3A_525 : i32 to index
      %swap3A_528 = arith.index_cast %swap3A_526 : i32 to index
      %swap3A_529 = arith.constant 16 : index
      %swap3A_530 = tpu.vector_load %arg7[%swap3A_527, %swap3A_528, %swap3A_529] {strides = array<i32>} : memref<2x2x80xi32, #tpu.memory_space<vmem>>, vector<1x1x16xi32>,
      %swap3A_531 = vector.shape_cast %swap3A_530 : vector<1x1x16xi32> to vector<16xi32>
      %swap3A_532 = vector.shape_cast %add3A_524 : vector<16xi32> to vector<1x1x16xi32>
      tpu.vector_store %arg7[%swap3A_527, %swap3A_528, %swap3A_529], %swap3A_532 {strides = array<i32>} : memref<2x2x80xi32, #tpu.memory_space<vmem>>, vector<1x1x16xi32>,
      %add3A_533 = arith.constant 32 : i32
      %add3A_534 = vector.broadcast %add3A_533 : i32 to vector<16xi32>
      %add3A_535 = arith.addi %add3A_534, %iota3A : vector<16xi32>
      %mul3A_536 = arith.constant 2 : i32
      %mul3A_537 = vector.broadcast %mul3A_536 : i32 to vector<16xi32>
      %mul3A_538 = arith.muli %mul3A_537, %add3A_535 : vector<16xi32>
      %add3A_539 = vector.broadcast %mul3A_399 : i32 to vector<16xi32>
      %add3A_540 = arith.addi %add3A_539, %mul3A_538 : vector<16xi32>
      %add3A_541 = arith.constant 1 : i32
      %add3A_542 = vector.broadcast %add3A_541 : i32 to vector<16xi32>
      %add3A_543 = arith.addi %add3A_540, %add3A_542 : vector<16xi32>
      %swap3A_544 = arith.constant 1 : i32
      %swap3A_545 = arith.constant 1 : i32
      %swap3A_546 = arith.index_cast %swap3A_544 : i32 to index
      %swap3A_547 = arith.index_cast %swap3A_545 : i32 to index
      %swap3A_548 = arith.constant 32 : index
      %swap3A_549 = tpu.vector_load %arg7[%swap3A_546, %swap3A_547, %swap3A_548] {strides = array<i32>} : memref<2x2x80xi32, #tpu.memory_space<vmem>>, vector<1x1x16xi32>,
      %swap3A_550 = vector.shape_cast %swap3A_549 : vector<1x1x16xi32> to vector<16xi32>
      %swap3A_551 = vector.shape_cast %add3A_543 : vector<16xi32> to vector<1x1x16xi32>
      tpu.vector_store %arg7[%swap3A_546, %swap3A_547, %swap3A_548], %swap3A_551 {strides = array<i32>} : memref<2x2x80xi32, #tpu.memory_space<vmem>>, vector<1x1x16xi32>,
      %add3A_552 = arith.constant 48 : i32
      %add3A_553 = vector.broadcast %add3A_552 : i32 to vector<16xi32>
      %add3A_554 = arith.addi %add3A_553, %iota3A : vector<16xi32>
      %mul3A_555 = arith.constant 2 : i32
      %mul3A_556 = vector.broadcast %mul3A_555 : i32 to vector<16xi32>
      %mul3A_557 = arith.muli %mul3A_556, %add3A_554 : vector<16xi32>
      %add3A_558 = vector.broadcast %mul3A_399 : i32 to vector<16xi32>
      %add3A_559 = arith.addi %add3A_558, %mul3A_557 : vector<16xi32>
      %add3A_560 = arith.constant 1 : i32
      %add3A_561 = vector.broadcast %add3A_560 : i32 to vector<16xi32>
      %add3A_562 = arith.addi %add3A_559, %add3A_561 : vector<16xi32>
      %swap3A_563 = arith.constant 1 : i32
      %swap3A_564 = arith.constant 1 : i32
      %swap3A_565 = arith.index_cast %swap3A_563 : i32 to index
      %swap3A_566 = arith.index_cast %swap3A_564 : i32 to index
      %swap3A_567 = arith.constant 48 : index
      %swap3A_568 = tpu.vector_load %arg7[%swap3A_565, %swap3A_566, %swap3A_567] {strides = array<i32>} : memref<2x2x80xi32, #tpu.memory_space<vmem>>, vector<1x1x16xi32>,
      %swap3A_569 = vector.shape_cast %swap3A_568 : vector<1x1x16xi32> to vector<16xi32>
      %swap3A_570 = vector.shape_cast %add3A_562 : vector<16xi32> to vector<1x1x16xi32>
      tpu.vector_store %arg7[%swap3A_565, %swap3A_566, %swap3A_567], %swap3A_570 {strides = array<i32>} : memref<2x2x80xi32, #tpu.memory_space<vmem>>, vector<1x1x16xi32>,
      %add3A_571 = arith.constant 64 : i32
      %add3A_572 = vector.broadcast %add3A_571 : i32 to vector<16xi32>
      %add3A_573 = arith.addi %add3A_572, %iota3A : vector<16xi32>
      %mul3A_574 = arith.constant 2 : i32
      %mul3A_575 = vector.broadcast %mul3A_574 : i32 to vector<16xi32>
      %mul3A_576 = arith.muli %mul3A_575, %add3A_573 : vector<16xi32>
      %add3A_577 = vector.broadcast %mul3A_399 : i32 to vector<16xi32>
      %add3A_578 = arith.addi %add3A_577, %mul3A_576 : vector<16xi32>
      %add3A_579 = arith.constant 1 : i32
      %add3A_580 = vector.broadcast %add3A_579 : i32 to vector<16xi32>
      %add3A_581 = arith.addi %add3A_578, %add3A_580 : vector<16xi32>
      %swap3A_582 = arith.constant 1 : i32
      %swap3A_583 = arith.constant 1 : i32
      %swap3A_584 = arith.index_cast %swap3A_582 : i32 to index
      %swap3A_585 = arith.index_cast %swap3A_583 : i32 to index
      %swap3A_586 = arith.constant 64 : index
      %swap3A_587 = tpu.vector_load %arg7[%swap3A_584, %swap3A_585, %swap3A_586] {strides = array<i32>} : memref<2x2x80xi32, #tpu.memory_space<vmem>>, vector<1x1x16xi32>,
      %swap3A_588 = vector.shape_cast %swap3A_587 : vector<1x1x16xi32> to vector<16xi32>
      %swap3A_589 = vector.shape_cast %add3A_581 : vector<16xi32> to vector<1x1x16xi32>
      tpu.vector_store %arg7[%swap3A_584, %swap3A_585, %swap3A_586], %swap3A_589 {strides = array<i32>} : memref<2x2x80xi32, #tpu.memory_space<vmem>>, vector<1x1x16xi32>,
      %dma_start3A_590 = arith.constant 1 : i32
      %dma_start3A_591 = arith.constant 0 : i32
      %dma_start3A_592 = arith.constant 1 : i32
      %dma_start3A_593 = arith.constant 0 : i32
      %dma_start3A_594 = arith.constant 0 : i32
      %dma_start3A_595 = arith.constant 0 : i32
      %dma_start3A_596 = tpu.memref_slice %arg8[%dma_start3A_590, %dma_start3A_591, %dma_start3A_594, %dma_start3A_595] : memref<2x2x80x128xf32, #tpu.memory_space<vmem>> -> memref<1x1x80x128xf32, #tpu.memory_space<vmem>>
      %dma_start3A_597 = tpu.memref_squeeze %dma_start3A_596 : memref<1x1x80x128xf32, #tpu.memory_space<vmem>> -> memref<80x128xf32, #tpu.memory_space<vmem>>
      %dma_start3A_598 = arith.constant 0 : i32
      %dma_start3A_599 = tpu.memref_slice %arg7[%dma_start3A_592, %dma_start3A_593, %dma_start3A_598] : memref<2x2x80xi32, #tpu.memory_space<vmem>> -> memref<1x1x80xi32, #tpu.memory_space<vmem>>
      %dma_start3A_600 = tpu.memref_squeeze %dma_start3A_599 : memref<1x1x80xi32, #tpu.memory_space<vmem>> -> memref<80xi32, #tpu.memory_space<vmem>>
      %dma_start3A_601 = arith.constant 0 : i32
      %dma_start3A_602 = arith.constant 0 : i32
      %dma_start3A_603 = tpu.memref_slice %arg5[%dma_start3A_601, %dma_start3A_602] : memref<409600x128xf32, #tpu.memory_space<hbm>> -> memref<409600x128xf32, #tpu.memory_space<hbm>>
      tpu.enqueue_indirect_dma source(%dma_start3A_597 : memref<80x128xf32, #tpu.memory_space<vmem>>) target(%dma_start3A_603 : memref<409600x128xf32, #tpu.memory_space<hbm>>) offsets(%dma_start3A_600 : memref<80xi32, #tpu.memory_space<vmem>>) semaphore(%arg12 : memref<!tpu.dma_semaphore, #tpu.memory_space<semaphore_mem>>)
      %dma_start3A_604 = arith.constant 1 : i32
      %dma_start3A_605 = arith.constant 1 : i32
      %dma_start3A_606 = arith.constant 1 : i32
      %dma_start3A_607 = arith.constant 1 : i32
      %dma_start3A_608 = arith.constant 0 : i32
      %dma_start3A_609 = arith.constant 0 : i32
      %dma_start3A_610 = tpu.memref_slice %arg8[%dma_start3A_604, %dma_start3A_605, %dma_start3A_608, %dma_start3A_609] : memref<2x2x80x128xf32, #tpu.memory_space<vmem>> -> memref<1x1x80x128xf32, #tpu.memory_space<vmem>>
      %dma_start3A_611 = tpu.memref_squeeze %dma_start3A_610 : memref<1x1x80x128xf32, #tpu.memory_space<vmem>> -> memref<80x128xf32, #tpu.memory_space<vmem>>
      %dma_start3A_612 = arith.constant 0 : i32
      %dma_start3A_613 = tpu.memref_slice %arg7[%dma_start3A_606, %dma_start3A_607, %dma_start3A_612] : memref<2x2x80xi32, #tpu.memory_space<vmem>> -> memref<1x1x80xi32, #tpu.memory_space<vmem>>
      %dma_start3A_614 = tpu.memref_squeeze %dma_start3A_613 : memref<1x1x80xi32, #tpu.memory_space<vmem>> -> memref<80xi32, #tpu.memory_space<vmem>>
      %dma_start3A_615 = arith.constant 0 : i32
      %dma_start3A_616 = arith.constant 0 : i32
      %dma_start3A_617 = tpu.memref_slice %arg5[%dma_start3A_615, %dma_start3A_616] : memref<409600x128xf32, #tpu.memory_space<hbm>> -> memref<409600x128xf32, #tpu.memory_space<hbm>>
      tpu.enqueue_indirect_dma source(%dma_start3A_611 : memref<80x128xf32, #tpu.memory_space<vmem>>) target(%dma_start3A_617 : memref<409600x128xf32, #tpu.memory_space<hbm>>) offsets(%dma_start3A_614 : memref<80xi32, #tpu.memory_space<vmem>>) semaphore(%arg12 : memref<!tpu.dma_semaphore, #tpu.memory_space<semaphore_mem>>)
      %lt3A = arith.constant 39 : i32
      %lt3A_618 = arith.cmpi slt, %scan3A_116, %lt3A : i32
      %convert_element_type3A = arith.extui %lt3A_618 : i1 to i32
      %cond3A = arith.constant 0 : i32
      %cond3A_619 = arith.cmpi ne, %convert_element_type3A, %cond3A : i32
      scf.if %cond3A_619 {
        %dma_wait3A_620 = arith.constant 0 : i32
        %dma_wait3A_621 = arith.constant 0 : i32
        %dma_wait3A_622 = arith.constant 0 : i32
        %dma_wait3A_623 = arith.constant 0 : i32
        %dma_wait3A_624 = arith.constant 0 : i32
        %dma_wait3A_625 = arith.constant 0 : i32
        %dma_wait3A_626 = tpu.memref_slice %arg8[%dma_wait3A_620, %dma_wait3A_621, %dma_wait3A_624, %dma_wait3A_625] : memref<2x2x80x128xf32, #tpu.memory_space<vmem>> -> memref<1x1x80x128xf32, #tpu.memory_space<vmem>>
        %dma_wait3A_627 = tpu.memref_squeeze %dma_wait3A_626 : memref<1x1x80x128xf32, #tpu.memory_space<vmem>> -> memref<80x128xf32, #tpu.memory_space<vmem>>
        %dma_wait3A_628 = arith.constant 0 : i32
        %dma_wait3A_629 = tpu.memref_slice %arg7[%dma_wait3A_622, %dma_wait3A_623, %dma_wait3A_628] : memref<2x2x80xi32, #tpu.memory_space<vmem>> -> memref<1x1x80xi32, #tpu.memory_space<vmem>>
        %dma_wait3A_630 = tpu.memref_squeeze %dma_wait3A_629 : memref<1x1x80xi32, #tpu.memory_space<vmem>> -> memref<80xi32, #tpu.memory_space<vmem>>
        %dma_wait3A_631 = arith.constant 0 : i32
        %dma_wait3A_632 = arith.constant 0 : i32
        %dma_wait3A_633 = tpu.memref_slice %arg5[%dma_wait3A_631, %dma_wait3A_632] : memref<409600x128xf32, #tpu.memory_space<hbm>> -> memref<409600x128xf32, #tpu.memory_space<hbm>>
        tpu.wait_indirect_dma semaphore(%arg11 : memref<!tpu.dma_semaphore, #tpu.memory_space<semaphore_mem>>) src(%dma_wait3A_627 : memref<80x128xf32, #tpu.memory_space<vmem>>) dst(%dma_wait3A_633 : memref<409600x128xf32, #tpu.memory_space<hbm>>)
        %dma_wait3A_634 = arith.constant 0 : i32
        %dma_wait3A_635 = arith.constant 1 : i32
        %dma_wait3A_636 = arith.constant 0 : i32
        %dma_wait3A_637 = arith.constant 1 : i32
        %dma_wait3A_638 = arith.constant 0 : i32
        %dma_wait3A_639 = arith.constant 0 : i32
        %dma_wait3A_640 = tpu.memref_slice %arg8[%dma_wait3A_634, %dma_wait3A_635, %dma_wait3A_638, %dma_wait3A_639] : memref<2x2x80x128xf32, #tpu.memory_space<vmem>> -> memref<1x1x80x128xf32, #tpu.memory_space<vmem>>
        %dma_wait3A_641 = tpu.memref_squeeze %dma_wait3A_640 : memref<1x1x80x128xf32, #tpu.memory_space<vmem>> -> memref<80x128xf32, #tpu.memory_space<vmem>>
        %dma_wait3A_642 = arith.constant 0 : i32
        %dma_wait3A_643 = tpu.memref_slice %arg7[%dma_wait3A_636, %dma_wait3A_637, %dma_wait3A_642] : memref<2x2x80xi32, #tpu.memory_space<vmem>> -> memref<1x1x80xi32, #tpu.memory_space<vmem>>
        %dma_wait3A_644 = tpu.memref_squeeze %dma_wait3A_643 : memref<1x1x80xi32, #tpu.memory_space<vmem>> -> memref<80xi32, #tpu.memory_space<vmem>>
        %dma_wait3A_645 = arith.constant 0 : i32
        %dma_wait3A_646 = arith.constant 0 : i32
        %dma_wait3A_647 = tpu.memref_slice %arg5[%dma_wait3A_645, %dma_wait3A_646] : memref<409600x128xf32, #tpu.memory_space<hbm>> -> memref<409600x128xf32, #tpu.memory_space<hbm>>
        tpu.wait_indirect_dma semaphore(%arg11 : memref<!tpu.dma_semaphore, #tpu.memory_space<semaphore_mem>>) src(%dma_wait3A_641 : memref<80x128xf32, #tpu.memory_space<vmem>>) dst(%dma_wait3A_647 : memref<409600x128xf32, #tpu.memory_space<hbm>>)
        %add3A_648 = arith.constant 2 : i32
        %add3A_649 = arith.addi %mul3A_118, %add3A_648 : i32
        %dma_start3A_650 = arith.constant 0 : i32
        %dma_start3A_651 = arith.constant 0 : i32
        %dma_start3A_652 = arith.constant 0 : i32
        %dma_start3A_653 = arith.constant 0 : i32
        %dma_start3A_654 = tpu.memref_slice %arg8[%dma_start3A_650, %dma_start3A_651, %dma_start3A_652, %dma_start3A_653] : memref<2x2x80x128xf32, #tpu.memory_space<vmem>> -> memref<1x1x80x128xf32, #tpu.memory_space<vmem>>
        %dma_start3A_655 = tpu.memref_squeeze %dma_start3A_654 : memref<1x1x80x128xf32, #tpu.memory_space<vmem>> -> memref<80x128xf32, #tpu.memory_space<vmem>>
        %dma_start3A_656 = arith.constant 0 : i32
        %dma_start3A_657 = tpu.memref_slice %arg6[%add3A_649, %dma_start3A_656] : memref<80x80xi32, #tpu.memory_space<vmem>> -> memref<1x80xi32, #tpu.memory_space<vmem>>
        %dma_start3A_658 = tpu.memref_squeeze %dma_start3A_657 : memref<1x80xi32, #tpu.memory_space<vmem>> -> memref<80xi32, #tpu.memory_space<vmem>>
        %dma_start3A_659 = arith.constant 0 : i32
        %dma_start3A_660 = arith.constant 0 : i32
        %dma_start3A_661 = tpu.memref_slice %arg3[%dma_start3A_659, %dma_start3A_660] : memref<100000x128xf32, #tpu.memory_space<hbm>> -> memref<100000x128xf32, #tpu.memory_space<hbm>>
        tpu.enqueue_indirect_dma source(%dma_start3A_661 : memref<100000x128xf32, #tpu.memory_space<hbm>>) target(%dma_start3A_655 : memref<80x128xf32, #tpu.memory_space<vmem>>) offsets(%dma_start3A_658 : memref<80xi32, #tpu.memory_space<vmem>>) semaphore(%arg9 : memref<!tpu.dma_semaphore, #tpu.memory_space<semaphore_mem>>)
        %dma_start3A_662 = arith.constant 0 : i32
        %dma_start3A_663 = arith.constant 1 : i32
        %dma_start3A_664 = arith.constant 0 : i32
        %dma_start3A_665 = arith.constant 0 : i32
        %dma_start3A_666 = tpu.memref_slice %arg8[%dma_start3A_662, %dma_start3A_663, %dma_start3A_664, %dma_start3A_665] : memref<2x2x80x128xf32, #tpu.memory_space<vmem>> -> memref<1x1x80x128xf32, #tpu.memory_space<vmem>>
        %dma_start3A_667 = tpu.memref_squeeze %dma_start3A_666 : memref<1x1x80x128xf32, #tpu.memory_space<vmem>> -> memref<80x128xf32, #tpu.memory_space<vmem>>
        %dma_start3A_668 = arith.constant 0 : i32
        %dma_start3A_669 = tpu.memref_slice %arg6[%add3A_649, %dma_start3A_668] : memref<80x80xi32, #tpu.memory_space<vmem>> -> memref<1x80xi32, #tpu.memory_space<vmem>>
        %dma_start3A_670 = tpu.memref_squeeze %dma_start3A_669 : memref<1x80xi32, #tpu.memory_space<vmem>> -> memref<80xi32, #tpu.memory_space<vmem>>
        %dma_start3A_671 = arith.constant 0 : i32
        %dma_start3A_672 = arith.constant 0 : i32
        %dma_start3A_673 = tpu.memref_slice %arg4[%dma_start3A_671, %dma_start3A_672] : memref<100000x128xf32, #tpu.memory_space<hbm>> -> memref<100000x128xf32, #tpu.memory_space<hbm>>
        tpu.enqueue_indirect_dma source(%dma_start3A_673 : memref<100000x128xf32, #tpu.memory_space<hbm>>) target(%dma_start3A_667 : memref<80x128xf32, #tpu.memory_space<vmem>>) offsets(%dma_start3A_670 : memref<80xi32, #tpu.memory_space<vmem>>) semaphore(%arg9 : memref<!tpu.dma_semaphore, #tpu.memory_space<semaphore_mem>>)
        %dma_wait3A_674 = arith.constant 1 : i32
        %dma_wait3A_675 = arith.constant 0 : i32
        %dma_wait3A_676 = arith.constant 1 : i32
        %dma_wait3A_677 = arith.constant 0 : i32
        %dma_wait3A_678 = arith.constant 0 : i32
        %dma_wait3A_679 = arith.constant 0 : i32
        %dma_wait3A_680 = tpu.memref_slice %arg8[%dma_wait3A_674, %dma_wait3A_675, %dma_wait3A_678, %dma_wait3A_679] : memref<2x2x80x128xf32, #tpu.memory_space<vmem>> -> memref<1x1x80x128xf32, #tpu.memory_space<vmem>>
        %dma_wait3A_681 = tpu.memref_squeeze %dma_wait3A_680 : memref<1x1x80x128xf32, #tpu.memory_space<vmem>> -> memref<80x128xf32, #tpu.memory_space<vmem>>
        %dma_wait3A_682 = arith.constant 0 : i32
        %dma_wait3A_683 = tpu.memref_slice %arg7[%dma_wait3A_676, %dma_wait3A_677, %dma_wait3A_682] : memref<2x2x80xi32, #tpu.memory_space<vmem>> -> memref<1x1x80xi32, #tpu.memory_space<vmem>>
        %dma_wait3A_684 = tpu.memref_squeeze %dma_wait3A_683 : memref<1x1x80xi32, #tpu.memory_space<vmem>> -> memref<80xi32, #tpu.memory_space<vmem>>
        %dma_wait3A_685 = arith.constant 0 : i32
        %dma_wait3A_686 = arith.constant 0 : i32
        %dma_wait3A_687 = tpu.memref_slice %arg5[%dma_wait3A_685, %dma_wait3A_686] : memref<409600x128xf32, #tpu.memory_space<hbm>> -> memref<409600x128xf32, #tpu.memory_space<hbm>>
        tpu.wait_indirect_dma semaphore(%arg12 : memref<!tpu.dma_semaphore, #tpu.memory_space<semaphore_mem>>) src(%dma_wait3A_681 : memref<80x128xf32, #tpu.memory_space<vmem>>) dst(%dma_wait3A_687 : memref<409600x128xf32, #tpu.memory_space<hbm>>)
        %dma_wait3A_688 = arith.constant 1 : i32
        %dma_wait3A_689 = arith.constant 1 : i32
        %dma_wait3A_690 = arith.constant 1 : i32
        %dma_wait3A_691 = arith.constant 1 : i32
        %dma_wait3A_692 = arith.constant 0 : i32
        %dma_wait3A_693 = arith.constant 0 : i32
        %dma_wait3A_694 = tpu.memref_slice %arg8[%dma_wait3A_688, %dma_wait3A_689, %dma_wait3A_692, %dma_wait3A_693] : memref<2x2x80x128xf32, #tpu.memory_space<vmem>> -> memref<1x1x80x128xf32, #tpu.memory_space<vmem>>
        %dma_wait3A_695 = tpu.memref_squeeze %dma_wait3A_694 : memref<1x1x80x128xf32, #tpu.memory_space<vmem>> -> memref<80x128xf32, #tpu.memory_space<vmem>>
        %dma_wait3A_696 = arith.constant 0 : i32
        %dma_wait3A_697 = tpu.memref_slice %arg7[%dma_wait3A_690, %dma_wait3A_691, %dma_wait3A_696] : memref<2x2x80xi32, #tpu.memory_space<vmem>> -> memref<1x1x80xi32, #tpu.memory_space<vmem>>
        %dma_wait3A_698 = tpu.memref_squeeze %dma_wait3A_697 : memref<1x1x80xi32, #tpu.memory_space<vmem>> -> memref<80xi32, #tpu.memory_space<vmem>>
        %dma_wait3A_699 = arith.constant 0 : i32
        %dma_wait3A_700 = arith.constant 0 : i32
        %dma_wait3A_701 = tpu.memref_slice %arg5[%dma_wait3A_699, %dma_wait3A_700] : memref<409600x128xf32, #tpu.memory_space<hbm>> -> memref<409600x128xf32, #tpu.memory_space<hbm>>
        tpu.wait_indirect_dma semaphore(%arg12 : memref<!tpu.dma_semaphore, #tpu.memory_space<semaphore_mem>>) src(%dma_wait3A_695 : memref<80x128xf32, #tpu.memory_space<vmem>>) dst(%dma_wait3A_701 : memref<409600x128xf32, #tpu.memory_space<hbm>>)
        %add3A_702 = arith.constant 3 : i32
        %add3A_703 = arith.addi %mul3A_118, %add3A_702 : i32
        %dma_start3A_704 = arith.constant 1 : i32
        %dma_start3A_705 = arith.constant 0 : i32
        %dma_start3A_706 = arith.constant 0 : i32
        %dma_start3A_707 = arith.constant 0 : i32
        %dma_start3A_708 = tpu.memref_slice %arg8[%dma_start3A_704, %dma_start3A_705, %dma_start3A_706, %dma_start3A_707] : memref<2x2x80x128xf32, #tpu.memory_space<vmem>> -> memref<1x1x80x128xf32, #tpu.memory_space<vmem>>
        %dma_start3A_709 = tpu.memref_squeeze %dma_start3A_708 : memref<1x1x80x128xf32, #tpu.memory_space<vmem>> -> memref<80x128xf32, #tpu.memory_space<vmem>>
        %dma_start3A_710 = arith.constant 0 : i32
        %dma_start3A_711 = tpu.memref_slice %arg6[%add3A_703, %dma_start3A_710] : memref<80x80xi32, #tpu.memory_space<vmem>> -> memref<1x80xi32, #tpu.memory_space<vmem>>
        %dma_start3A_712 = tpu.memref_squeeze %dma_start3A_711 : memref<1x80xi32, #tpu.memory_space<vmem>> -> memref<80xi32, #tpu.memory_space<vmem>>
        %dma_start3A_713 = arith.constant 0 : i32
        %dma_start3A_714 = arith.constant 0 : i32
        %dma_start3A_715 = tpu.memref_slice %arg3[%dma_start3A_713, %dma_start3A_714] : memref<100000x128xf32, #tpu.memory_space<hbm>> -> memref<100000x128xf32, #tpu.memory_space<hbm>>
        tpu.enqueue_indirect_dma source(%dma_start3A_715 : memref<100000x128xf32, #tpu.memory_space<hbm>>) target(%dma_start3A_709 : memref<80x128xf32, #tpu.memory_space<vmem>>) offsets(%dma_start3A_712 : memref<80xi32, #tpu.memory_space<vmem>>) semaphore(%arg10 : memref<!tpu.dma_semaphore, #tpu.memory_space<semaphore_mem>>)
        %dma_start3A_716 = arith.constant 1 : i32
        %dma_start3A_717 = arith.constant 1 : i32
        %dma_start3A_718 = arith.constant 0 : i32
        %dma_start3A_719 = arith.constant 0 : i32
        %dma_start3A_720 = tpu.memref_slice %arg8[%dma_start3A_716, %dma_start3A_717, %dma_start3A_718, %dma_start3A_719] : memref<2x2x80x128xf32, #tpu.memory_space<vmem>> -> memref<1x1x80x128xf32, #tpu.memory_space<vmem>>
        %dma_start3A_721 = tpu.memref_squeeze %dma_start3A_720 : memref<1x1x80x128xf32, #tpu.memory_space<vmem>> -> memref<80x128xf32, #tpu.memory_space<vmem>>
        %dma_start3A_722 = arith.constant 0 : i32
        %dma_start3A_723 = tpu.memref_slice %arg6[%add3A_703, %dma_start3A_722] : memref<80x80xi32, #tpu.memory_space<vmem>> -> memref<1x80xi32, #tpu.memory_space<vmem>>
        %dma_start3A_724 = tpu.memref_squeeze %dma_start3A_723 : memref<1x80xi32, #tpu.memory_space<vmem>> -> memref<80xi32, #tpu.memory_space<vmem>>
        %dma_start3A_725 = arith.constant 0 : i32
        %dma_start3A_726 = arith.constant 0 : i32
        %dma_start3A_727 = tpu.memref_slice %arg4[%dma_start3A_725, %dma_start3A_726] : memref<100000x128xf32, #tpu.memory_space<hbm>> -> memref<100000x128xf32, #tpu.memory_space<hbm>>
        tpu.enqueue_indirect_dma source(%dma_start3A_727 : memref<100000x128xf32, #tpu.memory_space<hbm>>) target(%dma_start3A_721 : memref<80x128xf32, #tpu.memory_space<vmem>>) offsets(%dma_start3A_724 : memref<80xi32, #tpu.memory_space<vmem>>) semaphore(%arg10 : memref<!tpu.dma_semaphore, #tpu.memory_space<semaphore_mem>>)
      } else {
      }
    }
    %scan3A_60 = arith.constant 40 : i32
    %dma_wait3A = arith.constant 0 : i32
    %dma_wait3A_61 = arith.constant 0 : i32
    %dma_wait3A_62 = arith.constant 0 : i32
    %dma_wait3A_63 = arith.constant 0 : i32
    %dma_wait3A_64 = arith.constant 0 : i32
    %dma_wait3A_65 = arith.constant 0 : i32
    %dma_wait3A_66 = tpu.memref_slice %arg8[%dma_wait3A, %dma_wait3A_61, %dma_wait3A_64, %dma_wait3A_65] : memref<2x2x80x128xf32, #tpu.memory_space<vmem>> -> memref<1x1x80x128xf32, #tpu.memory_space<vmem>>
    %dma_wait3A_67 = tpu.memref_squeeze %dma_wait3A_66 : memref<1x1x80x128xf32, #tpu.memory_space<vmem>> -> memref<80x128xf32, #tpu.memory_space<vmem>>
    %dma_wait3A_68 = arith.constant 0 : i32
    %dma_wait3A_69 = tpu.memref_slice %arg7[%dma_wait3A_62, %dma_wait3A_63, %dma_wait3A_68] : memref<2x2x80xi32, #tpu.memory_space<vmem>> -> memref<1x1x80xi32, #tpu.memory_space<vmem>>
    %dma_wait3A_70 = tpu.memref_squeeze %dma_wait3A_69 : memref<1x1x80xi32, #tpu.memory_space<vmem>> -> memref<80xi32, #tpu.memory_space<vmem>>
    %dma_wait3A_71 = arith.constant 0 : i32
    %dma_wait3A_72 = arith.constant 0 : i32
    %dma_wait3A_73 = tpu.memref_slice %arg5[%dma_wait3A_71, %dma_wait3A_72] : memref<409600x128xf32, #tpu.memory_space<hbm>> -> memref<409600x128xf32, #tpu.memory_space<hbm>>
    tpu.wait_indirect_dma semaphore(%arg11 : memref<!tpu.dma_semaphore, #tpu.memory_space<semaphore_mem>>) src(%dma_wait3A_67 : memref<80x128xf32, #tpu.memory_space<vmem>>) dst(%dma_wait3A_73 : memref<409600x128xf32, #tpu.memory_space<hbm>>)
    %dma_wait3A_74 = arith.constant 0 : i32
    %dma_wait3A_75 = arith.constant 1 : i32
    %dma_wait3A_76 = arith.constant 0 : i32
    %dma_wait3A_77 = arith.constant 1 : i32
    %dma_wait3A_78 = arith.constant 0 : i32
    %dma_wait3A_79 = arith.constant 0 : i32
    %dma_wait3A_80 = tpu.memref_slice %arg8[%dma_wait3A_74, %dma_wait3A_75, %dma_wait3A_78, %dma_wait3A_79] : memref<2x2x80x128xf32, #tpu.memory_space<vmem>> -> memref<1x1x80x128xf32, #tpu.memory_space<vmem>>
    %dma_wait3A_81 = tpu.memref_squeeze %dma_wait3A_80 : memref<1x1x80x128xf32, #tpu.memory_space<vmem>> -> memref<80x128xf32, #tpu.memory_space<vmem>>
    %dma_wait3A_82 = arith.constant 0 : i32
    %dma_wait3A_83 = tpu.memref_slice %arg7[%dma_wait3A_76, %dma_wait3A_77, %dma_wait3A_82] : memref<2x2x80xi32, #tpu.memory_space<vmem>> -> memref<1x1x80xi32, #tpu.memory_space<vmem>>
    %dma_wait3A_84 = tpu.memref_squeeze %dma_wait3A_83 : memref<1x1x80xi32, #tpu.memory_space<vmem>> -> memref<80xi32, #tpu.memory_space<vmem>>
    %dma_wait3A_85 = arith.constant 0 : i32
    %dma_wait3A_86 = arith.constant 0 : i32
    %dma_wait3A_87 = tpu.memref_slice %arg5[%dma_wait3A_85, %dma_wait3A_86] : memref<409600x128xf32, #tpu.memory_space<hbm>> -> memref<409600x128xf32, #tpu.memory_space<hbm>>
    tpu.wait_indirect_dma semaphore(%arg11 : memref<!tpu.dma_semaphore, #tpu.memory_space<semaphore_mem>>) src(%dma_wait3A_81 : memref<80x128xf32, #tpu.memory_space<vmem>>) dst(%dma_wait3A_87 : memref<409600x128xf32, #tpu.memory_space<hbm>>)
    %dma_wait3A_88 = arith.constant 1 : i32
    %dma_wait3A_89 = arith.constant 0 : i32
    %dma_wait3A_90 = arith.constant 1 : i32
    %dma_wait3A_91 = arith.constant 0 : i32
    %dma_wait3A_92 = arith.constant 0 : i32
    %dma_wait3A_93 = arith.constant 0 : i32
    %dma_wait3A_94 = tpu.memref_slice %arg8[%dma_wait3A_88, %dma_wait3A_89, %dma_wait3A_92, %dma_wait3A_93] : memref<2x2x80x128xf32, #tpu.memory_space<vmem>> -> memref<1x1x80x128xf32, #tpu.memory_space<vmem>>
    %dma_wait3A_95 = tpu.memref_squeeze %dma_wait3A_94 : memref<1x1x80x128xf32, #tpu.memory_space<vmem>> -> memref<80x128xf32, #tpu.memory_space<vmem>>
    %dma_wait3A_96 = arith.constant 0 : i32
    %dma_wait3A_97 = tpu.memref_slice %arg7[%dma_wait3A_90, %dma_wait3A_91, %dma_wait3A_96] : memref<2x2x80xi32, #tpu.memory_space<vmem>> -> memref<1x1x80xi32, #tpu.memory_space<vmem>>
    %dma_wait3A_98 = tpu.memref_squeeze %dma_wait3A_97 : memref<1x1x80xi32, #tpu.memory_space<vmem>> -> memref<80xi32, #tpu.memory_space<vmem>>
    %dma_wait3A_99 = arith.constant 0 : i32
    %dma_wait3A_100 = arith.constant 0 : i32
    %dma_wait3A_101 = tpu.memref_slice %arg5[%dma_wait3A_99, %dma_wait3A_100] : memref<409600x128xf32, #tpu.memory_space<hbm>> -> memref<409600x128xf32, #tpu.memory_space<hbm>>
    tpu.wait_indirect_dma semaphore(%arg12 : memref<!tpu.dma_semaphore, #tpu.memory_space<semaphore_mem>>) src(%dma_wait3A_95 : memref<80x128xf32, #tpu.memory_space<vmem>>) dst(%dma_wait3A_101 : memref<409600x128xf32, #tpu.memory_space<hbm>>)
    %dma_wait3A_102 = arith.constant 1 : i32
    %dma_wait3A_103 = arith.constant 1 : i32
    %dma_wait3A_104 = arith.constant 1 : i32
    %dma_wait3A_105 = arith.constant 1 : i32
    %dma_wait3A_106 = arith.constant 0 : i32
    %dma_wait3A_107 = arith.constant 0 : i32
    %dma_wait3A_108 = tpu.memref_slice %arg8[%dma_wait3A_102, %dma_wait3A_103, %dma_wait3A_106, %dma_wait3A_107] : memref<2x2x80x128xf32, #tpu.memory_space<vmem>> -> memref<1x1x80x128xf32, #tpu.memory_space<vmem>>
    %dma_wait3A_109 = tpu.memref_squeeze %dma_wait3A_108 : memref<1x1x80x128xf32, #tpu.memory_space<vmem>> -> memref<80x128xf32, #tpu.memory_space<vmem>>
    %dma_wait3A_110 = arith.constant 0 : i32
    %dma_wait3A_111 = tpu.memref_slice %arg7[%dma_wait3A_104, %dma_wait3A_105, %dma_wait3A_110] : memref<2x2x80xi32, #tpu.memory_space<vmem>> -> memref<1x1x80xi32, #tpu.memory_space<vmem>>
    %dma_wait3A_112 = tpu.memref_squeeze %dma_wait3A_111 : memref<1x1x80xi32, #tpu.memory_space<vmem>> -> memref<80xi32, #tpu.memory_space<vmem>>
    %dma_wait3A_113 = arith.constant 0 : i32
    %dma_wait3A_114 = arith.constant 0 : i32
    %dma_wait3A_115 = tpu.memref_slice %arg5[%dma_wait3A_113, %dma_wait3A_114] : memref<409600x128xf32, #tpu.memory_space<hbm>> -> memref<409600x128xf32, #tpu.memory_space<hbm>>
    tpu.wait_indirect_dma semaphore(%arg12 : memref<!tpu.dma_semaphore, #tpu.memory_space<semaphore_mem>>) src(%dma_wait3A_109 : memref<80x128xf32, #tpu.memory_space<vmem>>) dst(%dma_wait3A_115 : memref<409600x128xf32, #tpu.memory_space<hbm>>)
    return
  }
}

</mosaic_0001>

<sc_bundles>
// kernel: kernel.3.cloned.1.call-start
scs
__scs_entry_jumppad:
0x0: {  	(pc) =	sbr.rel $0x88, $3  }
0x1: {  	(tag) =	ssettag $0x0;
	lr =	simm.s32 $0x1  }
0x2: {  	[smem:$0x3F9E] =	sst lr;
	_ =	strace $0xD0000000  }
0x3: {  	_ = 	snop  }
0x4: {  	_ = 	snop  }
0x5: {  	_ = 	snop  }
0x6: {  	_ = 	snop  }
0x7: {  	_ = 	snop  }
__scs_overlays_trampoline_lowered:
0x8: {  	[smem:$0x3FAD] =	sst s0  }
0x9: {  	[smem:$0x3FAE] =	sst s1  }
0xa: {  	[smem:$0x3FAF] =	sst s2  }
0xb: {  	[smem:$0x3FB0] =	sst s3  }
0xc: {  	[smem:$0x3FB1] =	sst s4  }
0xd: {  	[smem:$0x3FB2] =	sst s5  }
0xe: {  	[smem:$0x3FB3] =	sst s6  }
0xf: {  	[smem:$0x3FB4] =	sst s7  }
0x10: {  	[smem:$0x3FB5] =	sst s8  }
0x11: {  	[smem:$0x3FB6] =	sst s9;
	s0 =	simm.s32 @!p0 $0x0  }
0x12: {  	s1 =	sld [smem:$0x3F9C];
	s0 =	simm.s32 @p0 $0x1  }
0x13: {  	[smem:$0x3FB7] =	sst s0;
	s0 =	simm.s32 @!p1 $0x0  }
0x14: {  	s2 =	sld [smem:$0x3F9B];
	s0 =	simm.s32 @p1 $0x1  }
0x15: {  	[smem:$0x3FB8] =	sst s0;
	s0 =	simm.s32 @!p2 $0x0  }
0x16: {  	s3 =	sld [smem:$0x3FDB];
	s0 =	simm.s32 @p2 $0x1  }
0x17: {  	s4 =	simm.s32 $0x1BF5;
	[smem:$0x3FBA] =	sst s0  }
0x18: {  	s0 =	sld [smem:$0x3F9D];
	_ =	swait.ge [sflag:s4], $0x0  }
0x19: {  	s7 =	sld [smem:$0x3F9E]  }
0x1a: {  	s8 =	sadd.s32 $0xFFFFE003, lr  }
0x1b: {  	s9 =	sadd.s32 $0xFFFFFEF7, lr;
	s5 =	simm.s32 $0xFFFFFFFF;
	p2 =	slt.u32 s8, $0xFFFFF086  }
0x1c: {  	p1 =	slt.u32 s9, $0xF7A;
	s5 =	simm.s32 @!p2 $0x0  }
0x1d: {  	s5 =	simm.s32 @p1 $0x1;
	p0 =	seq.s32 s7, s2  }
0x1e: {  	s7 =	smul.u32 @!p0 $0xF7A, s2;
	p2 =	seq.s32 @!p0 s5, $0x0  }
0x1f: {  	s9 =	smul.u32 $0xF7A, s1;
	s8 =	simm.s32 @!p0 $0x1BF5;
	p2 =	por !p2, p0  }
0x20: {  	[sflag:s8] =	ssyncset.s32 @!p0 $0xFFFFF086;
	s6 =	sadd.s32 @!p0 s3, s7;
	s7 =	simm.s32 @!p0 $0x108  }
0x21: {  	s3 =	sadd.s32 s3, s9;
	s6 =	sadd.s32 @!p0 $0x88, s6;
	s7 =	simm.s32 @p2 $0x1082  }
0x22: {  	[simem:s7], [sflag:s8] =	dma.local @!p0 [hbm:s6], $0xF7A  }
0x23: {  	s9 =	sor.u32 $0xD0000000, s2;
	s6 =	simm.s32 $0x108;
	_ =	swait.ge @!p0 [sflag:s8], $0x0  }
0x24: {  	s3 =	sadd.s32 $0x88, s3;
	s6 =	simm.s32 @!p1 $0x1082;
	[sflag:s4] =	ssyncset.s32 $0xFFFFF086  }
0x25: {  	[simem:s6], [sflag:s4] =	dma.local [hbm:s3], $0xF7A  }
0x26: {  	[smem:$0x3F9E] =	sst s1;
	(tag) =	ssettag s2;
	_ =	strace s9  }
0x27: {  	s1 =	sld [smem:$0x3FAE]  }
0x28: {  	s2 =	sld [smem:$0x3FAF]  }
0x29: {  	s4 =	sld [smem:$0x3FB1]  }
0x2a: {  	p0 =	seq.s32 s5, $0x0;
	s5 =	sld [smem:$0x3FB2]  }
0x2b: {  	s6 =	sld [smem:$0x3FB3]  }
0x2c: {  	s7 =	sld [smem:$0x3FB4]  }
0x2d: {  	s3 =	simm.s32 $0x108;
	s8 =	sld [smem:$0x3FB5]  }
0x2e: {  	s3 =	simm.s32 @!p0 $0x1082;
	s9 =	sld [smem:$0x3FB6]  }
0x2f: {  	lr =	sadd.s32 s0, s3;
	s0 =	sld [smem:$0x3FAD]  }
0x30: {  	s3 =	sld [smem:$0x3FB0]  }
0x31: {  	[smem:$0x3FB9] =	sst s10  }
0x32: {  	s10 =	sld [smem:$0x3FB7];
	_ =	sdelay $0x3  }
0x33: {  	p0 =	seq.s32 s10, $0x1;
	s10 =	sld [smem:$0x3FB9];
	_ =	sdelay $0x3  }
0x34: {  	[smem:$0x3FB9] =	sst s10  }
0x35: {  	s10 =	sld [smem:$0x3FB8];
	_ =	sdelay $0x3  }
0x36: {  	p1 =	seq.s32 s10, $0x1;
	s10 =	sld [smem:$0x3FB9];
	_ =	sdelay $0x3  }
0x37: {  	[smem:$0x3FB9] =	sst s10  }
0x38: {  	s10 =	sld [smem:$0x3FBA]  }
0x39: {  	_ = 	snop;
	(pc) =	sbr.ind lr, $3  }
0x3a: {  	_ = 	snop  }
0x3b: {  	_ = 	snop  }
0x3c: {  	p2 =	seq.s32 s10, $0x1;
	s10 =	sld [smem:$0x3FB9]  }
0x3d: {  	_ =	shalt  }
0x3e: {  	_ =	shalt  }
0x3f: {  	_ =	shalt  }
0x40: {  	_ =	shalt  }
0x41: {  	_ =	shalt  }
0x42: {  	_ =	shalt  }
0x43: {  	_ =	shalt  }
0x44: {  	_ =	shalt  }
0x45: {  	_ =	shalt  }
0x46: {  	_ =	shalt  }
0x47: {  	_ =	shalt  }
0x48: {  	_ =	shalt  }
0x49: {  	_ =	shalt  }
0x4a: {  	_ =	shalt  }
0x4b: {  	_ =	shalt  }
0x4c: {  	_ =	shalt  }
0x4d: {  	_ =	shalt  }
0x4e: {  	_ =	shalt  }
0x4f: {  	_ =	shalt  }
0x50: {  	_ =	shalt  }
0x51: {  	_ =	shalt  }
0x52: {  	_ =	shalt  }
0x53: {  	_ =	shalt  }
0x54: {  	_ =	shalt  }
0x55: {  	_ =	shalt  }
0x56: {  	_ =	shalt  }
0x57: {  	_ =	shalt  }
0x58: {  	_ =	shalt  }
0x59: {  	_ =	shalt  }
0x5a: {  	_ =	shalt  }
0x5b: {  	_ =	shalt  }
0x5c: {  	_ =	shalt  }
0x5d: {  	_ =	shalt  }
0x5e: {  	_ =	shalt  }
0x5f: {  	_ =	shalt  }
0x60: {  	_ =	shalt  }
0x61: {  	_ =	shalt  }
0x62: {  	_ =	shalt  }
0x63: {  	_ =	shalt  }
0x64: {  	_ =	shalt  }
0x65: {  	_ =	shalt  }
0x66: {  	_ =	shalt  }
0x67: {  	_ =	shalt  }
0x68: {  	_ =	shalt  }
0x69: {  	_ =	shalt  }
0x6a: {  	_ =	shalt  }
0x6b: {  	_ =	shalt  }
0x6c: {  	_ =	shalt  }
0x6d: {  	_ =	shalt  }
0x6e: {  	_ =	shalt  }
0x6f: {  	_ =	shalt  }
0x70: {  	_ =	shalt  }
0x71: {  	_ =	shalt  }
0x72: {  	_ =	shalt  }
0x73: {  	_ =	shalt  }
0x74: {  	_ =	shalt  }
0x75: {  	_ =	shalt  }
0x76: {  	_ =	shalt  }
0x77: {  	_ =	shalt  }
0x78: {  	_ =	shalt  }
0x79: {  	_ =	shalt  }
0x7a: {  	_ =	shalt  }
0x7b: {  	_ =	shalt  }
0x7c: {  	_ =	shalt  }
0x7d: {  	_ =	shalt  }
0x7e: {  	_ =	shalt  }
0x7f: {  	_ =	shalt  }
0x80: {  	_ =	shalt  }
0x81: {  	_ =	shalt  }
0x82: {  	_ =	shalt  }
0x83: {  	_ =	shalt  }
0x84: {  	_ =	shalt  }
0x85: {  	_ =	shalt  }
0x86: {  	_ =	shalt  }
0x87: {  	_ =	shalt  }
.Lfunc_end0:
.L_simem_size_0:
called_computation_lowered:
.L_overlay_start_0:
0x88: {  	s2 =	sld [smem:$0x3FD9]  }
0x89: {  	s3 =	sld [smem:$0x3FFE];
	_ =	sdelay $0x1  }
0x8a: {  	s1 =	srdreg.scid  }
0x8b: {  	s0 =	sand.u32 $0x1, s1  }
0x8c: {  	s17 =	sshll.u32 s0, $0xA;
	s2 =	sadd.s32 s3, s2  }
0x8d: {  	s2 =	sadd.s32 s2, s17  }
0x8e: {  	[smem:$0x3FC5] =	sst s2  }
0x8f: {  	_ = 	snop  }
0x90: {  	s2 =	sld [smem:$0x3FC8]  }
0x91: {  	s18 =	sld [smem:$0x3FC7]  }
0x92: {  	s4 =	sld [smem:$0x3FD0];
	(tm) =	ssettm $0x1  }
0x93: {  	s5 =	sld [smem:$0x3FFB];
	_ =	sdelay $0x3  }
0x94: {  	_ =	strace s5  }
0x95: {  	s5 =	sld [smem:$0x3FFC];
	_ =	sdelay $0x3  }
0x96: {  	_ =	strace s5  }
0x97: {  	s5 =	sld [smem:$0x3FFD];
	_ =	sdelay $0x3  }
0x98: {  	_ =	strace s5  }
0x99: {  	_ =	strace $0x8FFFFFFF  }
0x9a: {  	s19 =	sld [smem:$0x3FDB];
	_ =	sdelay $0x1  }
0x9b: {  	s6 =	simm.s32 $_scs_section_size  }
0x9c: {  	s7 =	simm.s32 $_size__tile_overlayer_lowered;
	s8 =	simm.s32 $_tile_overlayer_lowered  }
0x9d: {  	s22 =	simm.s32 $0x1BFF;
	s21 =	sshll.u32 s8, $0x1;
	s5 =	sadd.s32 s6, s19  }
0x9e: {  	s9 =	simm.s32 $0x0;
	s20 =	sshll.u32 s7, $0x1;
	s7 =	sadd.s32 s21, s5  }
0x9f: {  	[timem:s9], [sflag:s22] =	dma.local [hbm:s7], s20  }
0xa0: {  	_ =	swait.ge [sflag:s22], s20  }
0xa1: {  	s6 =	ssub.s32 $0x0, s20;
	[sflag:s22] =	ssyncset.done $0x0  }
0xa2: {  	[sflag:s22] =	ssyncadd.s32 s6;
	_ =	sdelay $0x1  }
0xa3: {  	s23 =	simm.s32 $0x1B8B  }
0xa4: {  	_ =	swait.ge [sflag:s23], $0x1  }
0xa5: {  	[sflag:s23] =	ssyncset.done $0x0  }
0xa6: {  	s25 =	simm.s32 $0x1B8E;
	s24 =	sld [smem:$0x3FFE];
	[sflag:s23] =	ssyncadd.s32 $0xFFFFFFFF  }
0xa7: {  	s26 =	simm.s32 $execute0_lowered;
	[smem:$0x3FD2] =	sst s25  }
0xa8: {  	s7 =	sshll.u32 s26, $0x1;
	_ =	strace $0x80000046;
	[dreg:$0x1] =	wrdreg $0xFFFFFFFF  }
0xa9: {  	s28 =	simm.s32 $_size_execute0_lowered;
	s5 =	sadd.s32 s5, s7;
	[dreg:$0x0] =	wrdreg $0x0  }
0xaa: {  	s7 =	sshll.u32 s28, $0x1;
	[dreg:$0x2] =	wrdreg s5  }
0xab: {  	[dreg:$0x3] =	wrdreg s7  }
0xac: {  	[dreg:$0x4] =	wrdreg $0xC0  }
0xad: {  	_ =	task [dreg:s9], $0x5FFFF  }
0xae: {  	[dreg:$0x1] =	wrdreg $0xFFFFFFFF  }
0xaf: {  	[dreg:$0x0] =	wrdreg $0x60  }
0xb0: {  	[dreg:$0x2] =	wrdreg s24  }
0xb1: {  	[dreg:$0x3] =	wrdreg s2  }
0xb2: {  	[dreg:$0x4] =	wrdreg s18  }
0xb3: {  	[dreg:$0x5] =	wrdreg s4  }
0xb4: {  	[dreg:$0x6] =	wrdreg $0x9  }
0xb5: {  	_ =	task.clear_ibuf [dreg:s9], $0x7FFFF;
	_ =	strace $0x90000046  }
0xb6: {  	s29 =	simm.s32 $0x9;
	_ =	strace $0x80000048  }
0xb7: {  	_ =	swait.ge [sflag:s29], $0x1  }
0xb8: {  	[sflag:s29] =	ssyncadd.s32 $0xFFFFFFFF  }
0xb9: {  	_ =	strace $0x90000048  }
0xba: {  	_ =	sfence  }
0xbb: {  	s30 =	sld [smem:$0x0];
	_ =	sdelay $0x2  }
0xbc: {  	s31 =	sshll.u32 s1, $0xD;
	s1 =	sshrl.u32 s1, $0x2  }
0xbd: {  	s3 =	sand.u32 $0x4000, s31;
	s1 =	sadd.s32 s1, s30  }
0xbe: {  	s0 =	sor.u32 s3, s0;
	s1 =	sshll.u32 s1, $0x11  }
0xbf: {  	s0 =	sor.u32 s1, s0  }
0xc0: {  	s0 =	sadd.s32 $0x8F2B, s0  }
0xc1: {  	[sflag:s0] =	ssyncadd.remote.s32 $0x1  }
0xc2: {  	_ =	sfence.sel $0xFFFF  }
0xc3: {  	[dreg:$0x0] =	wrdreg $0xFFFFFFFF;
	(pc) =	sbr.abs _section_cstart, $3  }
0xc4: {  	[dreg:$0x1] =	wrdreg $0xFFFFFFFF  }
0xc5: {  	_ =	task.clear_ibuf [dreg:s9], $0x2FFFF;
	_ =	strace $0x9FFFFFFF  }
0xc6: {  	(tm) =	ssettm $0x7FFFFFFF  }
0xc7: {  	_ =	shalt  }
tec
execute0_lowered:
.L_overlay_start_1:
0x0: {  	(tag) =	ssettag $0x1  }
0x1: {  	s6 =	rddreg [dreg:$0x0]  }
0x2: {  	s1 =	rddreg [dreg:$0x1]  }
0x3: {  	s2 =	srdreg.scid;
	s3 =	rddreg [dreg:$0x2]  }
0x4: {  	s0 =	stileid.u32;
	s4 =	rddreg [dreg:$0x3];
	s5 =	simm.s32 $0x0  }
0x5: {  	s12 =	simm.s32 $0x5200;
	s13 =	simm.s32 $0x80;
	s14 =	simm.s32 $0x7A00  }
0x6: {  	s15 =	simm.s32 $0xA200;
	s16 =	simm.s32 $0x1;
	s17 =	simm.s32 $0x2800  }
0x7: {  	s18 =	simm.s32 $0x2880;
	s19 =	simm.s32 $0x2;
	s20 =	simm.s32 $0x2900  }
0x8: {  	s21 =	simm.s32 $0x2980;
	s22 =	simm.s32 $0x3;
	s23 =	simm.s32 $0x4  }
0x9: {  	s24 =	simm.s32 $0x0;
	s7 =	sand.u32 $0x1, s2;
	s10 =	smul.u32 $0x6400, s0  }
0xa: {  	v0 =	vlaneseq.u32;
	s29 =	sshll.u32 s0, $0x1;
	s2 =	rddreg [dreg:$0x4];
	s11 =	smul.u32 $0x3200, s7  }
.Ltmp0:
0xb: {  	v0 =	vmul.u32 $0x2, v0;
	s8 =	sor.u32 s7, s29;
	s9 =	ssub.s32 $0x2, s7;
	(pc) =	sbr.rel .LBB2_1-.Ltmp0, $4  }
0xc: {  	[smem:$0x7FF] =	sst s5;
	s8 =	smul.u32 $0x500, s8;
	s30 =	sshrl.u32 s9, $0x1  }
0xd: {  	_ =	strace $0x80000047;
	v1 =	vor.u32 $0x20, v0;
	v2 =	vor.u32 $0x40, v0;
	v3 =	vor.u32 $0x60, v0;
	s31 =	ssub.s32 s9, s30;
	s9 =	simm.s32 $0x5  }
0xe: {  	v4 =	vor.u32 $0x80, v0;
	v5 =	vor.u32 $0x1, v0;
	v6 =	vor.u32 $0x21, v0;
	s6 =	sadd.s32 s8, s6;
	s7 =	smax.u32 s31, $0x1;
	s8 =	sadd.s32 s11, s10  }
0xf: {  	v7 =	vor.u32 $0x41, v0;
	v8 =	vor.u32 $0x61, v0;
	v9 =	vor.u32 $0x81, v0;
	s10 =	simm.s32 $0x50;
	s11 =	simm.s32 $0x2A00;
	s6 =	sadd.s32 $0x400, s6  }
.LBB2_4:
0x10: {  	s24 =	sadd.s32 $0x1, s24  }
0x11: {  	_ =	swait.ge [sflag:s23], $0x2800;
	p0 =	sne.s32 s24, s7  }
.Ltmp1:
0x12: {  	[sflag:s23] =	ssyncset.done $0x0;
	(pc) =	sbr.rel @!p0 .LBB2_5-.Ltmp1, $4  }
0x13: {  	[sflag:s23] =	ssyncadd.s32 $0xFFFFD800  }
0x14: {  	_ =	swait.ge [sflag:s23], $0x2800  }
0x15: {  	[sflag:s23] =	ssyncset.done $0x0  }
0x16: {  	[sflag:s23] =	ssyncadd.s32 $0xFFFFD800  }
.LBB2_1:
0x17: {  	[tilespmem:s5], [sflag:$0x5] =	stream.linear.gather [hbm4b:s6+s5], $0x2800, $0x38;
	[tilespmem:$0xCA00] =	vst v63  }
0x18: {  	_ =	swait.ge [sflag:s9], $0x2800  }
0x19: {  	[sflag:s9] =	ssyncset.done $0x0  }
0x1a: {  	[sflag:s9] =	ssyncadd.s32 $0xFFFFD800  }
0x1b: {  	[tilespmem:s11], [sflag:$0x1] =	stream.indirect.gather [hbm4b:s1+s10], $0x80, s5, s10, $0xb8;
	[tilespmem:$0xCA00] =	vst v63  }
0x1c: {  	_ = 	snop  }
0x1d: {  	[tilespmem:s12], [sflag:$0x1] =	stream.indirect.gather [hbm4b:s3+s10], $0x80, s5, s10, $0xb8;
	[tilespmem:$0xCA00] =	vst v63  }
0x1e: {  	_ = 	snop  }
0x1f: {  	[tilespmem:s14], [sflag:$0x2] =	stream.indirect.gather [hbm4b:s1+s10], $0x80, s13, s10, $0xb8;
	[tilespmem:$0xCA00] =	vst v63  }
0x20: {  	s25 =	simm.s32 $0x180;
	s26 =	simm.s32 $0x0  }
0x21: {  	[tilespmem:s15], [sflag:$0x2] =	stream.indirect.gather [hbm4b:s3+s10], $0x80, s13, s10, $0xb8;
	[tilespmem:$0xCA00] =	vst v63  }
.LBB2_2:
0x22: {  	_ =	swait.ge [sflag:s16], $0x2800  }
0x23: {  	[sflag:s16] =	ssyncset.done $0x0  }
0x24: {  	[sflag:s16] =	ssyncadd.s32 $0xFFFFD800  }
0x25: {  	_ =	swait.ge [sflag:s16], $0x2800  }
0x26: {  	s28 =	sadd.s32 s26, s8;
	[sflag:s16] =	ssyncset.done $0x0  }
0x27: {  	v10 =	vor.u32 s28, v0;
	[sflag:s16] =	ssyncadd.s32 $0xFFFFD800  }
0x28: {  	[tilespmem:$0x2800] =	vst v10;
	v10 =	vor.u32 s28, v1  }
0x29: {  	[tilespmem:$0x2810] =	vst v10;
	v10 =	vadd.s32 s28, v2  }
0x2a: {  	[tilespmem:$0x2820] =	vst v10;
	v10 =	vadd.s32 s28, v3  }
0x2b: {  	[tilespmem:$0x2830] =	vst v10;
	v10 =	vadd.s32 s28, v4  }
0x2c: {  	[tilespmem:$0x2840] =	vst v10;
	v10 =	vor.u32 s28, v5  }
0x2d: {  	[tilespmem:$0x2880] =	vst v10;
	v10 =	vor.u32 s28, v6  }
0x2e: {  	[tilespmem:$0x2890] =	vst v10;
	v10 =	vadd.s32 s28, v7  }
0x2f: {  	[tilespmem:$0x28A0] =	vst v10;
	v10 =	vadd.s32 s28, v8  }
0x30: {  	[tilespmem:$0x28B0] =	vst v10;
	v10 =	vadd.s32 s28, v9  }
0x31: {  	[tilespmem:$0x28C0] =	vst v10  }
0x32: {  	[hbm4b:s4+s10] =	stream.indirect.scatter [tilespmem:s11], [sflag:$0x3], $0x80, s17, s10, $0xb8;
	[tilespmem:$0xCA00] =	vst v63  }
0x33: {  	_ = 	snop  }
0x34: {  	[hbm4b:s4+s10] =	stream.indirect.scatter [tilespmem:s12], [sflag:$0x3], $0x80, s18, s10, $0xb8;
	[tilespmem:$0xCA00] =	vst v63  }
0x35: {  	_ =	swait.ge [sflag:s19], $0x2800  }
0x36: {  	[sflag:s19] =	ssyncset.done $0x0  }
0x37: {  	[sflag:s19] =	ssyncadd.s32 $0xFFFFD800  }
0x38: {  	_ =	swait.ge [sflag:s19], $0x2800  }
0x39: {  	s28 =	sadd.s32 $0xA0, s28;
	[sflag:s19] =	ssyncset.done $0x0  }
0x3a: {  	v10 =	vor.u32 s28, v0;
	[sflag:s19] =	ssyncadd.s32 $0xFFFFD800  }
0x3b: {  	[tilespmem:$0x2900] =	vst v10;
	v10 =	vadd.s32 s28, v1  }
0x3c: {  	[tilespmem:$0x2910] =	vst v10;
	v10 =	vadd.s32 s28, v2  }
0x3d: {  	[tilespmem:$0x2920] =	vst v10;
	v10 =	vadd.s32 s28, v3  }
0x3e: {  	[tilespmem:$0x2930] =	vst v10;
	v10 =	vadd.s32 s28, v4  }
0x3f: {  	[tilespmem:$0x2940] =	vst v10;
	v10 =	vor.u32 s28, v5  }
0x40: {  	[tilespmem:$0x2980] =	vst v10;
	v10 =	vadd.s32 s28, v6  }
0x41: {  	[tilespmem:$0x2990] =	vst v10;
	v10 =	vadd.s32 s28, v7  }
0x42: {  	[tilespmem:$0x29A0] =	vst v10;
	v10 =	vadd.s32 s28, v8  }
0x43: {  	[tilespmem:$0x29B0] =	vst v10;
	v10 =	vadd.s32 s28, v9  }
0x44: {  	[tilespmem:$0x29C0] =	vst v10  }
0x45: {  	[hbm4b:s4+s10] =	stream.indirect.scatter [tilespmem:s14], [sflag:$0x4], $0x80, s20, s10, $0xb8;
	[tilespmem:$0xCA00] =	vst v63  }
0x46: {  	_ = 	snop  }
0x47: {  	[hbm4b:s4+s10] =	stream.indirect.scatter [tilespmem:s15], [sflag:$0x4], $0x80, s21, s10, $0xb8;
	[tilespmem:$0xCA00] =	vst v63  }
0x48: {  	p0 =	seq.s32 s26, $0x30C0;
	_ =	swait.ge [sflag:s22], $0x2800  }
.Ltmp2:
0x49: {  	[sflag:s22] =	ssyncset.done $0x0;
	(pc) =	sbr.rel @p0 .LBB2_4-.Ltmp2, $4  }
0x4a: {  	[sflag:s22] =	ssyncadd.s32 $0xFFFFD800  }
0x4b: {  	_ =	swait.ge [sflag:s22], $0x2800  }
0x4c: {  	[sflag:s22] =	ssyncset.done $0x0  }
0x4d: {  	[sflag:s22] =	ssyncadd.s32 $0xFFFFD800  }
0x4e: {  	s28 =	sadd.s32 $0xFFFFFF80, s25  }
0x4f: {  	[tilespmem:s11], [sflag:$0x1] =	stream.indirect.gather [hbm4b:s1+s10], $0x80, s28, s10, $0xb8;
	[tilespmem:$0xCA00] =	vst v63  }
0x50: {  	_ = 	snop  }
0x51: {  	[tilespmem:s12], [sflag:$0x1] =	stream.indirect.gather [hbm4b:s3+s10], $0x80, s28, s10, $0xb8;
	[tilespmem:$0xCA00] =	vst v63  }
0x52: {  	_ =	swait.ge [sflag:s23], $0x2800  }
0x53: {  	[sflag:s23] =	ssyncset.done $0x0  }
0x54: {  	[sflag:s23] =	ssyncadd.s32 $0xFFFFD800  }
0x55: {  	_ =	swait.ge [sflag:s23], $0x2800  }
0x56: {  	[sflag:s23] =	ssyncset.done $0x0  }
.Ltmp3:
0x57: {  	[sflag:s23] =	ssyncadd.s32 $0xFFFFD800;
	(pc) =	sbr.rel .LBB2_2-.Ltmp3, $4  }
0x58: {  	[tilespmem:s14], [sflag:$0x2] =	stream.indirect.gather [hbm4b:s1+s10], $0x80, s25, s10, $0xb8;
	[tilespmem:$0xCA00] =	vst v63  }
0x59: {  	_ = 	snop  }
0x5a: {  	[tilespmem:s15], [sflag:$0x2] =	stream.indirect.gather [hbm4b:s3+s10], $0x80, s25, s10, $0xb8;
	[tilespmem:$0xCA00] =	vst v63  }
0x5b: {  	s26 =	sadd.s32 $0x140, s26;
	s25 =	sadd.s32 $0x100, s25  }
.LBB2_5:
0x5c: {  	_ =	sfence.sel $0x180000  }
0x5d: {  	[bflag:$0x0] =	sbarrier.arrive $0xFFFF  }
0x5e: {  	p0 =	sne.s32 s0, $0x0;
	_ =	strace $0x90000047  }
0x5f: {  	s0 =	sadd.s32 @!p0 $0x100000, s2;
	[bflag:$0x2] =	sbarrier.arrive $0xFFFF  }
0x60: {  	[sflag:s0] =	ssyncadd.tile.s32 @!p0 $0x1;
	_ =	shalt  }
.Lfunc_end2:
_tile_overlayer_lowered:
.L_overlay_start_2:
0x61: {  	(tag) =	ssettag $0x2  }
0x62: {  	s0 =	rddreg [dreg:$0x0];
	s2 =	stileid.u32  }
0x63: {  	s1 =	rddreg [dreg:$0x1];
	p0 =	sne.s32 s2, $0x0  }
0x64: {  	s3 =	rddreg [dreg:$0x2];
	[bflag:$0x3] =	sbarrier.arrive $0xFFFF;
	s2 =	simm.s32 @!p0 $0x1C05  }
0x65: {  	[timem:s3], [sflag:s2] =	dma.local @!p0 [hbm:s0], s1  }
0x66: {  	s0 =	simm.s32 @!p0 $0x5  }
0x67: {  	_ =	swait.ge @!p0 [sflag:s0], s1  }
0x68: {  	s1 =	ssub.s32 @!p0 $0x0, s1;
	[sflag:s0] =	ssyncset.done @!p0 $0x0  }
0x69: {  	[sflag:s0] =	ssyncadd.s32 @!p0 s1  }
0x6a: {  	[bflag:$0x3] =	sbarrier.arrive $0xFFFF  }
0x6b: {  	_ =	shalt  }

</sc_bundles>
